<compile_context>
chip_gen: v7x
topology: tpu7x:2x2x1
jax: 0.10.2.dev20260603
libtpu: 0.0.44.dev20260713+nightly
codegen_flags: <defaults>
</compile_context>

<pallas_src>
import functools

import jax
import jax.numpy as jnp
from jax import lax
from jax.experimental import pallas as pl
from jax.experimental.pallas import tpu as pltpu
from jax.experimental.pallas import tpu_sc as plsc

NC = 2
NS = 16
NW = NC * NS
CB = 88
L = 16


def _sc_mesh():
    return plsc.VectorSubcoreMesh(core_axis_name="c", subcore_axis_name="s")


def _deg_body(np_pad, ce, dst_hbm, out_hbm, dst_v, hist_v):
    c = lax.axis_index("c")
    s = lax.axis_index("s")
    w = c * NS + s
    zeros16 = jnp.zeros((L,), jnp.float32)

    def zero_body(i, _):
        hist_v[pl.ds(i * L, L)] = zeros16
        return 0

    lax.fori_loop(0, np_pad // L, zero_body, 0)
    pltpu.sync_copy(dst_hbm.at[w], dst_v)
    ones16 = jnp.ones((L,), jnp.float32)

    def body(i, _):
        idx = dst_v[pl.ds(i * L, L)]
        plsc.addupdate_scatter(hist_v, [idx], ones16)
        return 0

    lax.fori_loop(0, ce // L, body, 0)
    pltpu.sync_copy(hist_v, out_hbm.at[w])


def _deg_call(dst2, np_pad):
    nw, ce = dst2.shape
    body = functools.partial(_deg_body, np_pad, ce)
    return pl.kernel(
        body,
        out_type=jax.ShapeDtypeStruct((NW, np_pad), jnp.float32),
        mesh=_sc_mesh(),
        compiler_params=pltpu.CompilerParams(needs_layout_passes=False),
        scratch_types=[
            pltpu.VMEM((ce,), jnp.int32),
            pltpu.VMEM((np_pad,), jnp.float32),
        ],
    )(dst2)


def _agg_body(np_pad, chunks, d, y_hbm, src_hbm, dst_hbm, out_hbm,
              src_v, dst_v, buf2, acc_sh, gs_a, gs_b):
    c = lax.axis_index("c")
    s = lax.axis_index("s")
    rows_per_tile = np_pad // NS
    zeros16 = jnp.zeros((L,), jnp.float32)

    def zero_body(i, _):
        buf2[0, i // (d // L), pl.ds((i % (d // L)) * L, L)] = zeros16
        return 0

    lax.fori_loop(0, CB * (d // L), zero_body, 0)

    def zcopy_body(t, _):
        pltpu.sync_copy(buf2.at[0],
                        acc_sh.at[pl.ds(s * rows_per_tile + t * CB, CB)])
        return 0

    lax.fori_loop(0, rows_per_tile // CB, zcopy_body, 0)
    rem = rows_per_tile % CB
    if rem:
        pltpu.sync_copy(
            buf2.at[0, pl.ds(0, rem)],
            acc_sh.at[pl.ds(s * rows_per_tile + rows_per_tile - rem, rem)])

    pltpu.sync_copy(src_hbm.at[c, s], src_v)
    pltpu.sync_copy(dst_hbm.at[c, s], dst_v)

    def drain(sem):
        pltpu.make_async_copy(out_hbm.at[c, pl.ds(0, CB)], buf2.at[0],
                              sem).wait()

    pltpu.async_copy(y_hbm.at[src_v.at[0]], buf2.at[0], gs_a)
    plsc.subcore_barrier()

    def body(j, _):
        j0 = 2 * j
        drain(gs_a)
        pltpu.async_copy(y_hbm.at[src_v.at[j0 + 1]], buf2.at[1], gs_b)
        pltpu.sync_copy(buf2.at[0], acc_sh.at[dst_v.at[j0]], add=True)
        drain(gs_b)
        nxt = jnp.where(j0 + 2 < chunks, j0 + 2, 0)
        pltpu.async_copy(y_hbm.at[src_v.at[nxt]], buf2.at[0], gs_a)
        pltpu.sync_copy(buf2.at[1], acc_sh.at[dst_v.at[j0 + 1]], add=True)
        return 0

    lax.fori_loop(0, chunks // 2, body, 0)
    drain(gs_a)
    plsc.subcore_barrier()
    pltpu.sync_copy(acc_sh.at[pl.ds(s * rows_per_tile, rows_per_tile)],
                    out_hbm.at[c, pl.ds(s * rows_per_tile, rows_per_tile)])


def _agg_call(y, src3, dst3):
    np_pad, d = y.shape
    chunks = src3.shape[2]
    body = functools.partial(_agg_body, np_pad, chunks, d)
    return pl.kernel(
        body,
        out_type=jax.ShapeDtypeStruct((NC, np_pad, d), jnp.float32),
        mesh=_sc_mesh(),
        compiler_params=pltpu.CompilerParams(
            needs_layout_passes=False, use_tc_tiling_on_sc=False),
        scratch_types=[
            pltpu.VMEM((chunks, CB), jnp.int32),
            pltpu.VMEM((chunks, CB), jnp.int32),
            pltpu.VMEM((2, CB, d), jnp.float32),
            pltpu.VMEM_SHARED((np_pad, d), jnp.float32),
            pltpu.SemaphoreType.DMA,
            pltpu.SemaphoreType.DMA,
        ],
    )(y, src3, dst3)


def _dis(hists_ref):
    deg = jnp.sum(hists_ref[...], axis=0) + 1.0
    return lax.rsqrt(deg)[:, None]


def _tc_in_body(x_ref, w_ref, hists_ref, y_ref):
    xw = jnp.dot(x_ref[...], w_ref[...], preferred_element_type=jnp.float32)
    y_ref[...] = xw * _dis(hists_ref)


def _tc_in(x_pad, w, hists):
    np_pad, _ = x_pad.shape
    d = w.shape[1]
    return pl.pallas_call(
        _tc_in_body,
        out_shape=jax.ShapeDtypeStruct((np_pad, d), jnp.float32),
    )(x_pad, w, hists)


def _psum(pl_ref, pr_ref):
    del pr_ref
    return pl_ref[0] + pl_ref[1]


def _tc_mid_body(hists_ref, pl_ref, pr_ref, y1_ref, b1_ref, w2_ref, y2_ref):
    dis = _dis(hists_ref)
    h = (_psum(pl_ref, pr_ref) + y1_ref[...]) * dis + b1_ref[...]
    h = jnp.maximum(h, 0.0)
    y2_ref[...] = jnp.dot(h, w2_ref[...], preferred_element_type=jnp.float32) * dis


def _tc_mid(hists, p_l, p_r, y1, b1, w2):
    np_pad, d = y1.shape
    return pl.pallas_call(
        _tc_mid_body,
        out_shape=jax.ShapeDtypeStruct((np_pad, w2.shape[1]), jnp.float32),
    )(hists, p_l, p_r, y1, b1.reshape(1, -1), w2)


def _tc_out_body(hists_ref, ql_ref, qr_ref, y2_ref, b2_ref, out_ref):
    dis = _dis(hists_ref)
    z = (_psum(ql_ref, qr_ref) + y2_ref[...]) * dis + b2_ref[...]
    m = jnp.max(z, axis=1, keepdims=True)
    e = jnp.exp(z - m)
    out_ref[...] = (z - m) - jnp.log(jnp.sum(e, axis=1, keepdims=True))


def _tc_out(hists, q_l, q_r, y2, b2):
    np_pad, d = y2.shape
    return pl.pallas_call(
        _tc_out_body,
        out_shape=jax.ShapeDtypeStruct((np_pad, d), jnp.float32),
    )(hists, q_l, q_r, y2, b2.reshape(1, -1))


def kernel(x, edge_index, W1, b1, W2, b2):
    n, d_in = x.shape
    e = edge_index.shape[1]

    np_pad = ((n + 1 + 63) // 64) * 64
    chunks = (e + NW * CB - 1) // (NW * CB)
    chunks = ((chunks + 1) // 2) * 2
    ep = NW * chunks * CB

    src = jnp.concatenate(
        [edge_index[0], jnp.full((ep - e,), n, dtype=jnp.int32)])
    dst = jnp.concatenate(
        [edge_index[1], jnp.full((ep - e,), n, dtype=jnp.int32)])
    src3 = src.reshape(NC, NS, chunks, CB)
    dst3 = dst.reshape(NC, NS, chunks, CB)
    dst2 = dst.reshape(NW, chunks * CB)
    x_pad = jnp.pad(x, ((0, np_pad - n), (0, 0)))

    hists = _deg_call(dst2, np_pad)
    y1 = _tc_in(x_pad, W1, hists)
    p = _agg_call(y1, src3, dst3)
    y2 = _tc_mid(hists, p, p, y1, b1, W2)
    q = _agg_call(y2, src3, dst3)
    out = _tc_out(hists, q, q, y2, b2)
    return out[:n]

# --- scband reference (transcript-rebuilt; emitter-appended) ---
"""Pipeline reference for scband-gcn-44736379355209 (READ-ONLY COPY).

The authoritative reference and input builder live on the scoring server;
editing this copy changes nothing except your own understanding.
"""

import jax, jax.numpy as jnp
import numpy as np

N = 10000
E = 320000
D_IN = 128
D_HID = 128
D_OUT = 128


def setup_inputs(seed: int = 0) -> dict:
    key = jax.random.key(seed)
    ks = jax.random.split(key, 6)
    x = jax.random.normal(ks[0], (N, D_IN), dtype=jnp.float32)
    edge_index = jax.random.randint(ks[1], (2, E), 0, N, dtype=jnp.int32)
    W1 = jax.random.normal(ks[2], (D_IN, D_HID), dtype=jnp.float32) * (1.0 / np.sqrt(D_IN))
    b1 = jnp.zeros((D_HID,), dtype=jnp.float32)
    W2 = jax.random.normal(ks[3], (D_HID, D_OUT), dtype=jnp.float32) * (1.0 / np.sqrt(D_HID))
    b2 = jnp.zeros((D_OUT,), dtype=jnp.float32)
    return {"x": x, "edge_index": edge_index, "W1": W1, "b1": b1, "W2": W2, "b2": b2}


def gcn_conv(x, src, dst, W, b):
    # PyG GCNConv: add self-loops, symmetric normalization D^-1/2 (A+I) D^-1/2, then X W + b
    n = x.shape[0]
    loop = jnp.arange(n, dtype=src.dtype)
    s = jnp.concatenate([src, loop])
    d = jnp.concatenate([dst, loop])
    deg = jnp.zeros((n,), dtype=x.dtype).at[d].add(1.0)
    deg_inv_sqrt = jnp.where(deg > 0, 1.0 / jnp.sqrt(deg), 0.0)
    norm = deg_inv_sqrt[s] * deg_inv_sqrt[d]
    xw = x @ W
    msgs = xw[s] * norm[:, None]
    out = jnp.zeros((n, W.shape[1]), dtype=x.dtype).at[d].add(msgs)
    return out + b


def reference(x, edge_index, W1, b1, W2, b2):
    src = edge_index[0]
    dst = edge_index[1]
    h = gcn_conv(x, src, dst, W1, b1)
    h = jax.nn.relu(h)
    h = gcn_conv(h, src, dst, W2, b2)
    return jax.nn.log_softmax(h, axis=1)

if __name__ == "__main__":
    import jax
    _d = setup_inputs()
    print(jax.jit(kernel)(*tuple(_d.values())))

</pallas_src>

<mosaic_0001>
#map = affine_map<(d0, d1) -> (0, 0)>
#map1 = affine_map<(d0, d1) -> (0, 0, 0, 0)>
#map2 = affine_map<(d0, d1) -> (0, 0, 0)>
module attributes {stable_mosaic.version = 14 : i64} {
  func.func @_agg_body(%arg0: i32, %arg1: i32, %arg2: memref<10048x128xf32, #tpu.memory_space<hbm>>, %arg3: memref<2x16x114x88xi32, #tpu.memory_space<hbm>>, %arg4: memref<2x16x114x88xi32, #tpu.memory_space<hbm>>, %arg5: memref<2x10048x128xf32, #tpu.memory_space<hbm>>, %arg6: memref<114x88xi32, #tpu.memory_space<vmem>>, %arg7: memref<114x88xi32, #tpu.memory_space<vmem>>, %arg8: memref<2x88x128xf32, #tpu.memory_space<vmem>>, %arg9: memref<10048x128xf32, #tpu.memory_space<vmem_shared>>, %arg10: memref<!tpu.dma_semaphore, #tpu.memory_space<semaphore_mem>>, %arg11: memref<!tpu.dma_semaphore, #tpu.memory_space<semaphore_mem>>) attributes {dimension_semantics = [#tpu.dimension_semantics<core_parallel>, #tpu.dimension_semantics<subcore_parallel>], iteration_bounds = array<i64: 2, 16>, scalar_prefetch = 0 : i64, scratch_operands = 6 : i64, tpu.core_type = #tpu.core_type<sc_vector_subcore>, window_params = [{transform_indices = #map}, {transform_indices = #map1}, {transform_indices = #map1}, {transform_indices = #map2}]} {
    %broadcast_in_dim3A = arith.constant 0.000000e+00 : f32
    %broadcast_in_dim3A_0 = vector.broadcast %broadcast_in_dim3A : f32 to vector<16xf32>
    %scan3A = arith.constant 0 : i32
    %scan3A_1 = arith.constant 0 : i32
    %scan3A_2 = arith.constant 704 : i32
    %scan3A_3 = arith.addi %scan3A_1, %scan3A_2 : i32
    %scan3A_4 = arith.constant 1 : i32
    %scan3A_5 = scf.for %scan3A_56 = %scan3A_1 to %scan3A_3 step %scan3A_4 iter_args(%scan3A_57 = %scan3A) -> (i32)  : i32 {
      %jit3A = arith.constant 8 : i32
      %div3A = arith.divsi %scan3A_56, %jit3A : i32
      %sign3A = arith.constant 0 : i32
      %sign3A_58 = arith.cmpi sgt, %scan3A_56, %sign3A : i32
      %sign3A_59 = arith.extui %sign3A_58 : i1 to i32
      %sign3A_60 = arith.constant 0 : i32
      %sign3A_61 = arith.cmpi slt, %scan3A_56, %sign3A_60 : i32
      %sign3A_62 = arith.extui %sign3A_61 : i1 to i32
      %sign3A_63 = arith.subi %sign3A_59, %sign3A_62 : i32
      %sign3A_64 = arith.constant 0 : i32
      %sign3A_65 = arith.cmpi sgt, %jit3A, %sign3A_64 : i32
      %sign3A_66 = arith.extui %sign3A_65 : i1 to i32
      %sign3A_67 = arith.constant 0 : i32
      %sign3A_68 = arith.cmpi slt, %jit3A, %sign3A_67 : i32
      %sign3A_69 = arith.extui %sign3A_68 : i1 to i32
      %sign3A_70 = arith.subi %sign3A_66, %sign3A_69 : i32
      %ne3A = arith.cmpi ne, %sign3A_63, %sign3A_70 : i32
      %rem3A = arith.remsi %scan3A_56, %jit3A : i32
      %ne3A_71 = arith.constant 0 : i32
      %ne3A_72 = arith.cmpi ne, %rem3A, %ne3A_71 : i32
      %and3A = arith.andi %ne3A, %ne3A_72 : i1
      %sub3A_73 = arith.constant 1 : i32
      %sub3A_74 = arith.subi %div3A, %sub3A_73 : i32
      %select_n3A = arith.select %and3A, %sub3A_74, %div3A : i32
      %jit3A_75 = arith.constant 8 : i32
      %eq3A = arith.constant 0 : i32
      %eq3A_76 = arith.cmpi eq, %jit3A_75, %eq3A : i32
      %jit3A_77 = arith.constant 1 : i32
      %select_n3A_78 = arith.select %eq3A_76, %jit3A_77, %jit3A_75 : i32
      %rem3A_79 = arith.remsi %scan3A_56, %select_n3A_78 : i32
      %ne3A_80 = arith.constant 0 : i32
      %ne3A_81 = arith.cmpi ne, %rem3A_79, %ne3A_80 : i32
      %lt3A = arith.constant 0 : i32
      %lt3A_82 = arith.cmpi slt, %rem3A_79, %lt3A : i32
      %lt3A_83 = arith.constant 0 : i32
      %lt3A_84 = arith.cmpi slt, %select_n3A_78, %lt3A_83 : i32
      %ne3A_85 = arith.xori %lt3A_82, %lt3A_84 : i1
      %and3A_86 = arith.andi %ne3A_85, %ne3A_81 : i1
      %add3A_87 = arith.addi %rem3A_79, %select_n3A_78 : i32
      %select_n3A_88 = arith.select %and3A_86, %add3A_87, %rem3A_79 : i32
      %mul3A_89 = arith.constant 16 : i32
      %mul3A_90 = arith.muli %select_n3A_88, %mul3A_89 : i32
      %swap3A = arith.constant 0 : i32
      %swap3A_91 = arith.index_cast %swap3A : i32 to index
      %swap3A_92 = arith.index_cast %select_n3A : i32 to index
      %swap3A_93 = arith.index_cast %mul3A_90 : i32 to index
      %swap3A_94 = tpu.vector_load %arg8[%swap3A_91, %swap3A_92, %swap3A_93] {strides = array<i32>} : memref<2x88x128xf32, #tpu.memory_space<vmem>>, vector<16xf32>,
      tpu.vector_store %arg8[%swap3A_91, %swap3A_92, %swap3A_93], %broadcast_in_dim3A_0 {strides = array<i32>} : memref<2x88x128xf32, #tpu.memory_space<vmem>>, vector<16xf32>,
      %scan3A_95 = arith.constant 0 : i32
      scf.yield %scan3A_95 : i32
    }
    %scan3A_6 = arith.constant 704 : i32
    %scan3A_7 = arith.constant 0 : i32
    %scan3A_8 = arith.constant 0 : i32
    %scan3A_9 = arith.constant 7 : i32
    %scan3A_10 = arith.addi %scan3A_8, %scan3A_9 : i32
    %scan3A_11 = arith.constant 1 : i32
    %scan3A_12 = scf.for %scan3A_56 = %scan3A_8 to %scan3A_10 step %scan3A_11 iter_args(%scan3A_57 = %scan3A_7) -> (i32)  : i32 {
      %mul3A_58 = arith.constant 628 : i32
      %mul3A_59 = arith.muli %arg1, %mul3A_58 : i32
      %mul3A_60 = arith.constant 88 : i32
      %mul3A_61 = arith.muli %scan3A_56, %mul3A_60 : i32
      %add3A_62 = arith.addi %mul3A_59, %mul3A_61 : i32
      %run_scoped3A_63 = arith.constant 0 : i32
      "tpu.region"() ({
        %run_scoped3A_65 = tpu.sem_alloc : memref<!tpu.dma_semaphore, #tpu.memory_space<semaphore_mem>>
        %dma_start3A_66 = arith.constant 0 : i32
        %dma_start3A_67 = arith.constant 0 : i32
        %dma_start3A_68 = tpu.memref_slice %arg8[%run_scoped3A_63, %dma_start3A_66, %dma_start3A_67] : memref<2x88x128xf32, #tpu.memory_space<vmem>> -> memref<1x88x128xf32, #tpu.memory_space<vmem>>
        %dma_start3A_69 = tpu.memref_squeeze %dma_start3A_68 : memref<1x88x128xf32, #tpu.memory_space<vmem>> -> memref<88x128xf32, #tpu.memory_space<vmem>>
        %dma_start3A_70 = arith.constant 0 : i32
        %dma_start3A_71 = tpu.memref_slice %arg9[%add3A_62, %dma_start3A_70] : memref<10048x128xf32, #tpu.memory_space<vmem_shared>> -> memref<88x128xf32, #tpu.memory_space<vmem_shared>>
        %dma_start3A_72 = arith.constant 0 : i32
        %dma_start3A_73 = tpu.memref_slice %arg9[%add3A_62, %dma_start3A_72] : memref<10048x128xf32, #tpu.memory_space<vmem_shared>> -> memref<88x128xf32, #tpu.memory_space<vmem_shared>>
        %dma_start3A_74 = arith.constant 0 : i32
        %dma_start3A_75 = arith.constant 0 : i32
        %dma_start3A_76 = tpu.memref_slice %arg8[%run_scoped3A_63, %dma_start3A_74, %dma_start3A_75] : memref<2x88x128xf32, #tpu.memory_space<vmem>> -> memref<1x88x128xf32, #tpu.memory_space<vmem>>
        %dma_start3A_77 = tpu.memref_squeeze %dma_start3A_76 : memref<1x88x128xf32, #tpu.memory_space<vmem>> -> memref<88x128xf32, #tpu.memory_space<vmem>>
        tpu.enqueue_dma source(%dma_start3A_77 : memref<88x128xf32, #tpu.memory_space<vmem>>) target(%dma_start3A_73 : memref<88x128xf32, #tpu.memory_space<vmem_shared>>) target_semaphore(%run_scoped3A_65 : memref<!tpu.dma_semaphore, #tpu.memory_space<semaphore_mem>>)
        %dma_wait3A_78 = arith.constant 0 : i32
        %dma_wait3A_79 = arith.constant 0 : i32
        %dma_wait3A_80 = tpu.memref_slice %arg8[%run_scoped3A_63, %dma_wait3A_78, %dma_wait3A_79] : memref<2x88x128xf32, #tpu.memory_space<vmem>> -> memref<1x88x128xf32, #tpu.memory_space<vmem>>
        %dma_wait3A_81 = tpu.memref_squeeze %dma_wait3A_80 : memref<1x88x128xf32, #tpu.memory_space<vmem>> -> memref<88x128xf32, #tpu.memory_space<vmem>>
        %dma_wait3A_82 = arith.constant 0 : i32
        %dma_wait3A_83 = tpu.memref_slice %arg9[%add3A_62, %dma_wait3A_82] : memref<10048x128xf32, #tpu.memory_space<vmem_shared>> -> memref<88x128xf32, #tpu.memory_space<vmem_shared>>
        %dma_wait3A_84 = arith.constant 0 : i32
        %dma_wait3A_85 = tpu.memref_slice %arg9[%add3A_62, %dma_wait3A_84] : memref<10048x128xf32, #tpu.memory_space<vmem_shared>> -> memref<88x128xf32, #tpu.memory_space<vmem_shared>>
        %dma_wait3A_86 = arith.constant 0 : i32
        %dma_wait3A_87 = arith.constant 0 : i32
        %dma_wait3A_88 = tpu.memref_slice %arg8[%run_scoped3A_63, %dma_wait3A_86, %dma_wait3A_87] : memref<2x88x128xf32, #tpu.memory_space<vmem>> -> memref<1x88x128xf32, #tpu.memory_space<vmem>>
        %dma_wait3A_89 = tpu.memref_squeeze %dma_wait3A_88 : memref<1x88x128xf32, #tpu.memory_space<vmem>> -> memref<88x128xf32, #tpu.memory_space<vmem>>
        tpu.wait_dma2 semaphore(%run_scoped3A_65 : memref<!tpu.dma_semaphore, #tpu.memory_space<semaphore_mem>>) src(%dma_wait3A_89 : memref<88x128xf32, #tpu.memory_space<vmem>>) dst(%dma_wait3A_85 : memref<88x128xf32, #tpu.memory_space<vmem_shared>>)
        tpu.yield
      }) : () -> ()
      %scan3A_64 = arith.constant 0 : i32
      scf.yield %scan3A_64 : i32
    }
    %scan3A_13 = arith.constant 7 : i32
    %mul3A = arith.constant 628 : i32
    %mul3A_14 = arith.muli %arg1, %mul3A : i32
    %add3A = arith.constant 628 : i32
    %add3A_15 = arith.addi %mul3A_14, %add3A : i32
    %sub3A = arith.constant 12 : i32
    %sub3A_16 = arith.subi %add3A_15, %sub3A : i32
    %run_scoped3A = arith.constant 0 : i32
    "tpu.region"() ({
      %run_scoped3A_56 = tpu.sem_alloc : memref<!tpu.dma_semaphore, #tpu.memory_space<semaphore_mem>>
      %dma_start3A_57 = arith.constant 0 : i32
      %dma_start3A_58 = arith.constant 0 : i32
      %dma_start3A_59 = tpu.memref_slice %arg8[%run_scoped3A, %dma_start3A_57, %dma_start3A_58] : memref<2x88x128xf32, #tpu.memory_space<vmem>> -> memref<1x12x128xf32, #tpu.memory_space<vmem>>
      %dma_start3A_60 = tpu.memref_squeeze %dma_start3A_59 : memref<1x12x128xf32, #tpu.memory_space<vmem>> -> memref<12x128xf32, #tpu.memory_space<vmem>>
      %dma_start3A_61 = arith.constant 0 : i32
      %dma_start3A_62 = tpu.memref_slice %arg9[%sub3A_16, %dma_start3A_61] : memref<10048x128xf32, #tpu.memory_space<vmem_shared>> -> memref<12x128xf32, #tpu.memory_space<vmem_shared>>
      %dma_start3A_63 = arith.constant 0 : i32
      %dma_start3A_64 = tpu.memref_slice %arg9[%sub3A_16, %dma_start3A_63] : memref<10048x128xf32, #tpu.memory_space<vmem_shared>> -> memref<12x128xf32, #tpu.memory_space<vmem_shared>>
      %dma_start3A_65 = arith.constant 0 : i32
      %dma_start3A_66 = arith.constant 0 : i32
      %dma_start3A_67 = tpu.memref_slice %arg8[%run_scoped3A, %dma_start3A_65, %dma_start3A_66] : memref<2x88x128xf32, #tpu.memory_space<vmem>> -> memref<1x12x128xf32, #tpu.memory_space<vmem>>
      %dma_start3A_68 = tpu.memref_squeeze %dma_start3A_67 : memref<1x12x128xf32, #tpu.memory_space<vmem>> -> memref<12x128xf32, #tpu.memory_space<vmem>>
      tpu.enqueue_dma source(%dma_start3A_68 : memref<12x128xf32, #tpu.memory_space<vmem>>) target(%dma_start3A_64 : memref<12x128xf32, #tpu.memory_space<vmem_shared>>) target_semaphore(%run_scoped3A_56 : memref<!tpu.dma_semaphore, #tpu.memory_space<semaphore_mem>>)
      %dma_wait3A_69 = arith.constant 0 : i32
      %dma_wait3A_70 = arith.constant 0 : i32
      %dma_wait3A_71 = tpu.memref_slice %arg8[%run_scoped3A, %dma_wait3A_69, %dma_wait3A_70] : memref<2x88x128xf32, #tpu.memory_space<vmem>> -> memref<1x12x128xf32, #tpu.memory_space<vmem>>
      %dma_wait3A_72 = tpu.memref_squeeze %dma_wait3A_71 : memref<1x12x128xf32, #tpu.memory_space<vmem>> -> memref<12x128xf32, #tpu.memory_space<vmem>>
      %dma_wait3A_73 = arith.constant 0 : i32
      %dma_wait3A_74 = tpu.memref_slice %arg9[%sub3A_16, %dma_wait3A_73] : memref<10048x128xf32, #tpu.memory_space<vmem_shared>> -> memref<12x128xf32, #tpu.memory_space<vmem_shared>>
      %dma_wait3A_75 = arith.constant 0 : i32
      %dma_wait3A_76 = tpu.memref_slice %arg9[%sub3A_16, %dma_wait3A_75] : memref<10048x128xf32, #tpu.memory_space<vmem_shared>> -> memref<12x128xf32, #tpu.memory_space<vmem_shared>>
      %dma_wait3A_77 = arith.constant 0 : i32
      %dma_wait3A_78 = arith.constant 0 : i32
      %dma_wait3A_79 = tpu.memref_slice %arg8[%run_scoped3A, %dma_wait3A_77, %dma_wait3A_78] : memref<2x88x128xf32, #tpu.memory_space<vmem>> -> memref<1x12x128xf32, #tpu.memory_space<vmem>>
      %dma_wait3A_80 = tpu.memref_squeeze %dma_wait3A_79 : memref<1x12x128xf32, #tpu.memory_space<vmem>> -> memref<12x128xf32, #tpu.memory_space<vmem>>
      tpu.wait_dma2 semaphore(%run_scoped3A_56 : memref<!tpu.dma_semaphore, #tpu.memory_space<semaphore_mem>>) src(%dma_wait3A_80 : memref<12x128xf32, #tpu.memory_space<vmem>>) dst(%dma_wait3A_76 : memref<12x128xf32, #tpu.memory_space<vmem_shared>>)
      tpu.yield
    }) : () -> ()
    "tpu.region"() ({
      %run_scoped3A_56 = tpu.sem_alloc : memref<!tpu.dma_semaphore, #tpu.memory_space<semaphore_mem>>
      %dma_start3A_57 = arith.constant 0 : i32
      %dma_start3A_58 = arith.constant 0 : i32
      %dma_start3A_59 = tpu.memref_slice %arg3[%arg0, %arg1, %dma_start3A_57, %dma_start3A_58] : memref<2x16x114x88xi32, #tpu.memory_space<hbm>> -> memref<1x1x114x88xi32, #tpu.memory_space<hbm>>
      %dma_start3A_60 = tpu.memref_squeeze %dma_start3A_59 : memref<1x1x114x88xi32, #tpu.memory_space<hbm>> -> memref<114x88xi32, #tpu.memory_space<hbm>>
      %dma_start3A_61 = arith.constant 0 : i32
      %dma_start3A_62 = arith.constant 0 : i32
      %dma_start3A_63 = tpu.memref_slice %arg3[%arg0, %arg1, %dma_start3A_61, %dma_start3A_62] : memref<2x16x114x88xi32, #tpu.memory_space<hbm>> -> memref<1x1x114x88xi32, #tpu.memory_space<hbm>>
      %dma_start3A_64 = tpu.memref_squeeze %dma_start3A_63 : memref<1x1x114x88xi32, #tpu.memory_space<hbm>> -> memref<114x88xi32, #tpu.memory_space<hbm>>
      tpu.enqueue_dma source(%dma_start3A_64 : memref<114x88xi32, #tpu.memory_space<hbm>>) target(%arg6 : memref<114x88xi32, #tpu.memory_space<vmem>>) target_semaphore(%run_scoped3A_56 : memref<!tpu.dma_semaphore, #tpu.memory_space<semaphore_mem>>)
      %dma_wait3A_65 = arith.constant 0 : i32
      %dma_wait3A_66 = arith.constant 0 : i32
      %dma_wait3A_67 = tpu.memref_slice %arg3[%arg0, %arg1, %dma_wait3A_65, %dma_wait3A_66] : memref<2x16x114x88xi32, #tpu.memory_space<hbm>> -> memref<1x1x114x88xi32, #tpu.memory_space<hbm>>
      %dma_wait3A_68 = tpu.memref_squeeze %dma_wait3A_67 : memref<1x1x114x88xi32, #tpu.memory_space<hbm>> -> memref<114x88xi32, #tpu.memory_space<hbm>>
      %dma_wait3A_69 = arith.constant 0 : i32
      %dma_wait3A_70 = arith.constant 0 : i32
      %dma_wait3A_71 = tpu.memref_slice %arg3[%arg0, %arg1, %dma_wait3A_69, %dma_wait3A_70] : memref<2x16x114x88xi32, #tpu.memory_space<hbm>> -> memref<1x1x114x88xi32, #tpu.memory_space<hbm>>
      %dma_wait3A_72 = tpu.memref_squeeze %dma_wait3A_71 : memref<1x1x114x88xi32, #tpu.memory_space<hbm>> -> memref<114x88xi32, #tpu.memory_space<hbm>>
      tpu.wait_dma2 semaphore(%run_scoped3A_56 : memref<!tpu.dma_semaphore, #tpu.memory_space<semaphore_mem>>) src(%dma_wait3A_72 : memref<114x88xi32, #tpu.memory_space<hbm>>) dst(%arg6 : memref<114x88xi32, #tpu.memory_space<vmem>>)
      tpu.yield
    }) : () -> ()
    "tpu.region"() ({
      %run_scoped3A_56 = tpu.sem_alloc : memref<!tpu.dma_semaphore, #tpu.memory_space<semaphore_mem>>
      %dma_start3A_57 = arith.constant 0 : i32
      %dma_start3A_58 = arith.constant 0 : i32
      %dma_start3A_59 = tpu.memref_slice %arg4[%arg0, %arg1, %dma_start3A_57, %dma_start3A_58] : memref<2x16x114x88xi32, #tpu.memory_space<hbm>> -> memref<1x1x114x88xi32, #tpu.memory_space<hbm>>
      %dma_start3A_60 = tpu.memref_squeeze %dma_start3A_59 : memref<1x1x114x88xi32, #tpu.memory_space<hbm>> -> memref<114x88xi32, #tpu.memory_space<hbm>>
      %dma_start3A_61 = arith.constant 0 : i32
      %dma_start3A_62 = arith.constant 0 : i32
      %dma_start3A_63 = tpu.memref_slice %arg4[%arg0, %arg1, %dma_start3A_61, %dma_start3A_62] : memref<2x16x114x88xi32, #tpu.memory_space<hbm>> -> memref<1x1x114x88xi32, #tpu.memory_space<hbm>>
      %dma_start3A_64 = tpu.memref_squeeze %dma_start3A_63 : memref<1x1x114x88xi32, #tpu.memory_space<hbm>> -> memref<114x88xi32, #tpu.memory_space<hbm>>
      tpu.enqueue_dma source(%dma_start3A_64 : memref<114x88xi32, #tpu.memory_space<hbm>>) target(%arg7 : memref<114x88xi32, #tpu.memory_space<vmem>>) target_semaphore(%run_scoped3A_56 : memref<!tpu.dma_semaphore, #tpu.memory_space<semaphore_mem>>)
      %dma_wait3A_65 = arith.constant 0 : i32
      %dma_wait3A_66 = arith.constant 0 : i32
      %dma_wait3A_67 = tpu.memref_slice %arg4[%arg0, %arg1, %dma_wait3A_65, %dma_wait3A_66] : memref<2x16x114x88xi32, #tpu.memory_space<hbm>> -> memref<1x1x114x88xi32, #tpu.memory_space<hbm>>
      %dma_wait3A_68 = tpu.memref_squeeze %dma_wait3A_67 : memref<1x1x114x88xi32, #tpu.memory_space<hbm>> -> memref<114x88xi32, #tpu.memory_space<hbm>>
      %dma_wait3A_69 = arith.constant 0 : i32
      %dma_wait3A_70 = arith.constant 0 : i32
      %dma_wait3A_71 = tpu.memref_slice %arg4[%arg0, %arg1, %dma_wait3A_69, %dma_wait3A_70] : memref<2x16x114x88xi32, #tpu.memory_space<hbm>> -> memref<1x1x114x88xi32, #tpu.memory_space<hbm>>
      %dma_wait3A_72 = tpu.memref_squeeze %dma_wait3A_71 : memref<1x1x114x88xi32, #tpu.memory_space<hbm>> -> memref<114x88xi32, #tpu.memory_space<hbm>>
      tpu.wait_dma2 semaphore(%run_scoped3A_56 : memref<!tpu.dma_semaphore, #tpu.memory_space<semaphore_mem>>) src(%dma_wait3A_72 : memref<114x88xi32, #tpu.memory_space<hbm>>) dst(%arg7 : memref<114x88xi32, #tpu.memory_space<vmem>>)
      tpu.yield
    }) : () -> ()
    %dma_start3A = arith.constant 0 : i32
    %dma_start3A_17 = arith.constant 0 : i32
    %dma_start3A_18 = arith.constant 0 : i32
    %dma_start3A_19 = arith.constant 0 : i32
    %dma_start3A_20 = tpu.memref_slice %arg8[%dma_start3A_17, %dma_start3A_18, %dma_start3A_19] : memref<2x88x128xf32, #tpu.memory_space<vmem>> -> memref<1x88x128xf32, #tpu.memory_space<vmem>>
    %dma_start3A_21 = tpu.memref_squeeze %dma_start3A_20 : memref<1x88x128xf32, #tpu.memory_space<vmem>> -> memref<88x128xf32, #tpu.memory_space<vmem>>
    %dma_start3A_22 = arith.constant 0 : i32
    %dma_start3A_23 = tpu.memref_slice %arg6[%dma_start3A, %dma_start3A_22] : memref<114x88xi32, #tpu.memory_space<vmem>> -> memref<1x88xi32, #tpu.memory_space<vmem>>
    %dma_start3A_24 = tpu.memref_squeeze %dma_start3A_23 : memref<1x88xi32, #tpu.memory_space<vmem>> -> memref<88xi32, #tpu.memory_space<vmem>>
    %dma_start3A_25 = arith.constant 0 : i32
    %dma_start3A_26 = arith.constant 0 : i32
    %dma_start3A_27 = tpu.memref_slice %arg2[%dma_start3A_25, %dma_start3A_26] : memref<10048x128xf32, #tpu.memory_space<hbm>> -> memref<10048x128xf32, #tpu.memory_space<hbm>>
    tpu.enqueue_indirect_dma source(%dma_start3A_27 : memref<10048x128xf32, #tpu.memory_space<hbm>>) target(%dma_start3A_21 : memref<88x128xf32, #tpu.memory_space<vmem>>) offsets(%dma_start3A_24 : memref<88xi32, #tpu.memory_space<vmem>>) semaphore(%arg10 : memref<!tpu.dma_semaphore, #tpu.memory_space<semaphore_mem>>)
    %barrier3A = arith.constant 0 : index
    tpu.barrier barrier_id(%barrier3A)
    %scan3A_28 = arith.constant 0 : i32
    %scan3A_29 = arith.constant 0 : i32
    %scan3A_30 = arith.constant 57 : i32
    %scan3A_31 = arith.addi %scan3A_29, %scan3A_30 : i32
    %scan3A_32 = arith.constant 1 : i32
    %scan3A_33 = scf.for %scan3A_56 = %scan3A_29 to %scan3A_31 step %scan3A_32 iter_args(%scan3A_57 = %scan3A_28) -> (i32)  : i32 {
      %mul3A_58 = arith.constant 2 : i32
      %mul3A_59 = arith.muli %mul3A_58, %scan3A_56 : i32
      %dma_wait3A_60 = arith.constant 0 : i32
      %dma_wait3A_61 = arith.constant 0 : i32
      %dma_wait3A_62 = arith.constant 0 : i32
      %dma_wait3A_63 = tpu.memref_slice %arg8[%dma_wait3A_60, %dma_wait3A_61, %dma_wait3A_62] : memref<2x88x128xf32, #tpu.memory_space<vmem>> -> memref<1x88x128xf32, #tpu.memory_space<vmem>>
      %dma_wait3A_64 = tpu.memref_squeeze %dma_wait3A_63 : memref<1x88x128xf32, #tpu.memory_space<vmem>> -> memref<88x128xf32, #tpu.memory_space<vmem>>
      %dma_wait3A_65 = arith.constant 0 : i32
      %dma_wait3A_66 = arith.constant 0 : i32
      %dma_wait3A_67 = tpu.memref_slice %arg5[%arg0, %dma_wait3A_65, %dma_wait3A_66] : memref<2x10048x128xf32, #tpu.memory_space<hbm>> -> memref<1x88x128xf32, #tpu.memory_space<hbm>>
      %dma_wait3A_68 = tpu.memref_squeeze %dma_wait3A_67 : memref<1x88x128xf32, #tpu.memory_space<hbm>> -> memref<88x128xf32, #tpu.memory_space<hbm>>
      %dma_wait3A_69 = arith.constant 0 : i32
      %dma_wait3A_70 = arith.constant 0 : i32
      %dma_wait3A_71 = tpu.memref_slice %arg8[%dma_wait3A_60, %dma_wait3A_69, %dma_wait3A_70] : memref<2x88x128xf32, #tpu.memory_space<vmem>> -> memref<1x88x128xf32, #tpu.memory_space<vmem>>
      %dma_wait3A_72 = tpu.memref_squeeze %dma_wait3A_71 : memref<1x88x128xf32, #tpu.memory_space<vmem>> -> memref<88x128xf32, #tpu.memory_space<vmem>>
      %dma_wait3A_73 = arith.constant 0 : i32
      %dma_wait3A_74 = arith.constant 0 : i32
      %dma_wait3A_75 = tpu.memref_slice %arg5[%arg0, %dma_wait3A_73, %dma_wait3A_74] : memref<2x10048x128xf32, #tpu.memory_space<hbm>> -> memref<1x88x128xf32, #tpu.memory_space<hbm>>
      %dma_wait3A_76 = tpu.memref_squeeze %dma_wait3A_75 : memref<1x88x128xf32, #tpu.memory_space<hbm>> -> memref<88x128xf32, #tpu.memory_space<hbm>>
      tpu.wait_dma2 semaphore(%arg10 : memref<!tpu.dma_semaphore, #tpu.memory_space<semaphore_mem>>) src(%dma_wait3A_76 : memref<88x128xf32, #tpu.memory_space<hbm>>) dst(%dma_wait3A_72 : memref<88x128xf32, #tpu.memory_space<vmem>>)
      %add3A_77 = arith.constant 1 : i32
      %add3A_78 = arith.addi %mul3A_59, %add3A_77 : i32
      %dma_start3A_79 = arith.constant 1 : i32
      %dma_start3A_80 = arith.constant 0 : i32
      %dma_start3A_81 = arith.constant 0 : i32
      %dma_start3A_82 = tpu.memref_slice %arg8[%dma_start3A_79, %dma_start3A_80, %dma_start3A_81] : memref<2x88x128xf32, #tpu.memory_space<vmem>> -> memref<1x88x128xf32, #tpu.memory_space<vmem>>
      %dma_start3A_83 = tpu.memref_squeeze %dma_start3A_82 : memref<1x88x128xf32, #tpu.memory_space<vmem>> -> memref<88x128xf32, #tpu.memory_space<vmem>>
      %dma_start3A_84 = arith.constant 0 : i32
      %dma_start3A_85 = tpu.memref_slice %arg6[%add3A_78, %dma_start3A_84] : memref<114x88xi32, #tpu.memory_space<vmem>> -> memref<1x88xi32, #tpu.memory_space<vmem>>
      %dma_start3A_86 = tpu.memref_squeeze %dma_start3A_85 : memref<1x88xi32, #tpu.memory_space<vmem>> -> memref<88xi32, #tpu.memory_space<vmem>>
      %dma_start3A_87 = arith.constant 0 : i32
      %dma_start3A_88 = arith.constant 0 : i32
      %dma_start3A_89 = tpu.memref_slice %arg2[%dma_start3A_87, %dma_start3A_88] : memref<10048x128xf32, #tpu.memory_space<hbm>> -> memref<10048x128xf32, #tpu.memory_space<hbm>>
      tpu.enqueue_indirect_dma source(%dma_start3A_89 : memref<10048x128xf32, #tpu.memory_space<hbm>>) target(%dma_start3A_83 : memref<88x128xf32, #tpu.memory_space<vmem>>) offsets(%dma_start3A_86 : memref<88xi32, #tpu.memory_space<vmem>>) semaphore(%arg11 : memref<!tpu.dma_semaphore, #tpu.memory_space<semaphore_mem>>)
      %run_scoped3A_90 = arith.constant 0 : i32
      "tpu.region"() ({
        %run_scoped3A_128 = tpu.sem_alloc : memref<!tpu.dma_semaphore, #tpu.memory_space<semaphore_mem>>
        %dma_start3A_129 = arith.constant 0 : i32
        %dma_start3A_130 = arith.constant 0 : i32
        %dma_start3A_131 = tpu.memref_slice %arg8[%run_scoped3A_90, %dma_start3A_129, %dma_start3A_130] : memref<2x88x128xf32, #tpu.memory_space<vmem>> -> memref<1x88x128xf32, #tpu.memory_space<vmem>>
        %dma_start3A_132 = tpu.memref_squeeze %dma_start3A_131 : memref<1x88x128xf32, #tpu.memory_space<vmem>> -> memref<88x128xf32, #tpu.memory_space<vmem>>
        %dma_start3A_133 = arith.constant 0 : i32
        %dma_start3A_134 = tpu.memref_slice %arg7[%mul3A_59, %dma_start3A_133] : memref<114x88xi32, #tpu.memory_space<vmem>> -> memref<1x88xi32, #tpu.memory_space<vmem>>
        %dma_start3A_135 = tpu.memref_squeeze %dma_start3A_134 : memref<1x88xi32, #tpu.memory_space<vmem>> -> memref<88xi32, #tpu.memory_space<vmem>>
        %dma_start3A_136 = arith.constant 0 : i32
        %dma_start3A_137 = arith.constant 0 : i32
        %dma_start3A_138 = tpu.memref_slice %arg9[%dma_start3A_136, %dma_start3A_137] : memref<10048x128xf32, #tpu.memory_space<vmem_shared>> -> memref<10048x128xf32, #tpu.memory_space<vmem_shared>>
        tpu.enqueue_indirect_dma source(%dma_start3A_132 : memref<88x128xf32, #tpu.memory_space<vmem>>) target(%dma_start3A_138 : memref<10048x128xf32, #tpu.memory_space<vmem_shared>>) offsets(%dma_start3A_135 : memref<88xi32, #tpu.memory_space<vmem>>) semaphore(%run_scoped3A_128 : memref<!tpu.dma_semaphore, #tpu.memory_space<semaphore_mem>>) {add = true}
        %dma_wait3A_139 = arith.constant 0 : i32
        %dma_wait3A_140 = arith.constant 0 : i32
        %dma_wait3A_141 = tpu.memref_slice %arg8[%run_scoped3A_90, %dma_wait3A_139, %dma_wait3A_140] : memref<2x88x128xf32, #tpu.memory_space<vmem>> -> memref<1x88x128xf32, #tpu.memory_space<vmem>>
        %dma_wait3A_142 = tpu.memref_squeeze %dma_wait3A_141 : memref<1x88x128xf32, #tpu.memory_space<vmem>> -> memref<88x128xf32, #tpu.memory_space<vmem>>
        %dma_wait3A_143 = arith.constant 0 : i32
        %dma_wait3A_144 = tpu.memref_slice %arg7[%mul3A_59, %dma_wait3A_143] : memref<114x88xi32, #tpu.memory_space<vmem>> -> memref<1x88xi32, #tpu.memory_space<vmem>>
        %dma_wait3A_145 = tpu.memref_squeeze %dma_wait3A_144 : memref<1x88xi32, #tpu.memory_space<vmem>> -> memref<88xi32, #tpu.memory_space<vmem>>
        %dma_wait3A_146 = arith.constant 0 : i32
        %dma_wait3A_147 = arith.constant 0 : i32
        %dma_wait3A_148 = tpu.memref_slice %arg9[%dma_wait3A_146, %dma_wait3A_147] : memref<10048x128xf32, #tpu.memory_space<vmem_shared>> -> memref<10048x128xf32, #tpu.memory_space<vmem_shared>>
        tpu.wait_indirect_dma semaphore(%run_scoped3A_128 : memref<!tpu.dma_semaphore, #tpu.memory_space<semaphore_mem>>) src(%dma_wait3A_142 : memref<88x128xf32, #tpu.memory_space<vmem>>) dst(%dma_wait3A_148 : memref<10048x128xf32, #tpu.memory_space<vmem_shared>>)
        tpu.yield
      }) : () -> ()
      %dma_wait3A_91 = arith.constant 0 : i32
      %dma_wait3A_92 = arith.constant 0 : i32
      %dma_wait3A_93 = arith.constant 0 : i32
      %dma_wait3A_94 = tpu.memref_slice %arg8[%dma_wait3A_91, %dma_wait3A_92, %dma_wait3A_93] : memref<2x88x128xf32, #tpu.memory_space<vmem>> -> memref<1x88x128xf32, #tpu.memory_space<vmem>>
      %dma_wait3A_95 = tpu.memref_squeeze %dma_wait3A_94 : memref<1x88x128xf32, #tpu.memory_space<vmem>> -> memref<88x128xf32, #tpu.memory_space<vmem>>
      %dma_wait3A_96 = arith.constant 0 : i32
      %dma_wait3A_97 = arith.constant 0 : i32
      %dma_wait3A_98 = tpu.memref_slice %arg5[%arg0, %dma_wait3A_96, %dma_wait3A_97] : memref<2x10048x128xf32, #tpu.memory_space<hbm>> -> memref<1x88x128xf32, #tpu.memory_space<hbm>>
      %dma_wait3A_99 = tpu.memref_squeeze %dma_wait3A_98 : memref<1x88x128xf32, #tpu.memory_space<hbm>> -> memref<88x128xf32, #tpu.memory_space<hbm>>
      %dma_wait3A_100 = arith.constant 0 : i32
      %dma_wait3A_101 = arith.constant 0 : i32
      %dma_wait3A_102 = tpu.memref_slice %arg8[%dma_wait3A_91, %dma_wait3A_100, %dma_wait3A_101] : memref<2x88x128xf32, #tpu.memory_space<vmem>> -> memref<1x88x128xf32, #tpu.memory_space<vmem>>
      %dma_wait3A_103 = tpu.memref_squeeze %dma_wait3A_102 : memref<1x88x128xf32, #tpu.memory_space<vmem>> -> memref<88x128xf32, #tpu.memory_space<vmem>>
      %dma_wait3A_104 = arith.constant 0 : i32
      %dma_wait3A_105 = arith.constant 0 : i32
      %dma_wait3A_106 = tpu.memref_slice %arg5[%arg0, %dma_wait3A_104, %dma_wait3A_105] : memref<2x10048x128xf32, #tpu.memory_space<hbm>> -> memref<1x88x128xf32, #tpu.memory_space<hbm>>
      %dma_wait3A_107 = tpu.memref_squeeze %dma_wait3A_106 : memref<1x88x128xf32, #tpu.memory_space<hbm>> -> memref<88x128xf32, #tpu.memory_space<hbm>>
      tpu.wait_dma2 semaphore(%arg11 : memref<!tpu.dma_semaphore, #tpu.memory_space<semaphore_mem>>) src(%dma_wait3A_107 : memref<88x128xf32, #tpu.memory_space<hbm>>) dst(%dma_wait3A_103 : memref<88x128xf32, #tpu.memory_space<vmem>>)
      %add3A_108 = arith.constant 2 : i32
      %add3A_109 = arith.addi %mul3A_59, %add3A_108 : i32
      %lt3A = arith.constant 114 : i32
      %lt3A_110 = arith.cmpi slt, %add3A_109, %lt3A : i32
      %add3A_111 = arith.constant 2 : i32
      %add3A_112 = arith.addi %mul3A_59, %add3A_111 : i32
      %jit3A = arith.constant 0 : i32
      %select_n3A = arith.select %lt3A_110, %add3A_112, %jit3A : i32
      %dma_start3A_113 = arith.constant 0 : i32
      %dma_start3A_114 = arith.constant 0 : i32
      %dma_start3A_115 = arith.constant 0 : i32
      %dma_start3A_116 = tpu.memref_slice %arg8[%dma_start3A_113, %dma_start3A_114, %dma_start3A_115] : memref<2x88x128xf32, #tpu.memory_space<vmem>> -> memref<1x88x128xf32, #tpu.memory_space<vmem>>
      %dma_start3A_117 = tpu.memref_squeeze %dma_start3A_116 : memref<1x88x128xf32, #tpu.memory_space<vmem>> -> memref<88x128xf32, #tpu.memory_space<vmem>>
      %dma_start3A_118 = arith.constant 0 : i32
      %dma_start3A_119 = tpu.memref_slice %arg6[%select_n3A, %dma_start3A_118] : memref<114x88xi32, #tpu.memory_space<vmem>> -> memref<1x88xi32, #tpu.memory_space<vmem>>
      %dma_start3A_120 = tpu.memref_squeeze %dma_start3A_119 : memref<1x88xi32, #tpu.memory_space<vmem>> -> memref<88xi32, #tpu.memory_space<vmem>>
      %dma_start3A_121 = arith.constant 0 : i32
      %dma_start3A_122 = arith.constant 0 : i32
      %dma_start3A_123 = tpu.memref_slice %arg2[%dma_start3A_121, %dma_start3A_122] : memref<10048x128xf32, #tpu.memory_space<hbm>> -> memref<10048x128xf32, #tpu.memory_space<hbm>>
      tpu.enqueue_indirect_dma source(%dma_start3A_123 : memref<10048x128xf32, #tpu.memory_space<hbm>>) target(%dma_start3A_117 : memref<88x128xf32, #tpu.memory_space<vmem>>) offsets(%dma_start3A_120 : memref<88xi32, #tpu.memory_space<vmem>>) semaphore(%arg10 : memref<!tpu.dma_semaphore, #tpu.memory_space<semaphore_mem>>)
      %add3A_124 = arith.constant 1 : i32
      %add3A_125 = arith.addi %mul3A_59, %add3A_124 : i32
      %run_scoped3A_126 = arith.constant 1 : i32
      "tpu.region"() ({
        %run_scoped3A_128 = tpu.sem_alloc : memref<!tpu.dma_semaphore, #tpu.memory_space<semaphore_mem>>
        %dma_start3A_129 = arith.constant 0 : i32
        %dma_start3A_130 = arith.constant 0 : i32
        %dma_start3A_131 = tpu.memref_slice %arg8[%run_scoped3A_126, %dma_start3A_129, %dma_start3A_130] : memref<2x88x128xf32, #tpu.memory_space<vmem>> -> memref<1x88x128xf32, #tpu.memory_space<vmem>>
        %dma_start3A_132 = tpu.memref_squeeze %dma_start3A_131 : memref<1x88x128xf32, #tpu.memory_space<vmem>> -> memref<88x128xf32, #tpu.memory_space<vmem>>
        %dma_start3A_133 = arith.constant 0 : i32
        %dma_start3A_134 = tpu.memref_slice %arg7[%add3A_125, %dma_start3A_133] : memref<114x88xi32, #tpu.memory_space<vmem>> -> memref<1x88xi32, #tpu.memory_space<vmem>>
        %dma_start3A_135 = tpu.memref_squeeze %dma_start3A_134 : memref<1x88xi32, #tpu.memory_space<vmem>> -> memref<88xi32, #tpu.memory_space<vmem>>
        %dma_start3A_136 = arith.constant 0 : i32
        %dma_start3A_137 = arith.constant 0 : i32
        %dma_start3A_138 = tpu.memref_slice %arg9[%dma_start3A_136, %dma_start3A_137] : memref<10048x128xf32, #tpu.memory_space<vmem_shared>> -> memref<10048x128xf32, #tpu.memory_space<vmem_shared>>
        tpu.enqueue_indirect_dma source(%dma_start3A_132 : memref<88x128xf32, #tpu.memory_space<vmem>>) target(%dma_start3A_138 : memref<10048x128xf32, #tpu.memory_space<vmem_shared>>) offsets(%dma_start3A_135 : memref<88xi32, #tpu.memory_space<vmem>>) semaphore(%run_scoped3A_128 : memref<!tpu.dma_semaphore, #tpu.memory_space<semaphore_mem>>) {add = true}
        %dma_wait3A_139 = arith.constant 0 : i32
        %dma_wait3A_140 = arith.constant 0 : i32
        %dma_wait3A_141 = tpu.memref_slice %arg8[%run_scoped3A_126, %dma_wait3A_139, %dma_wait3A_140] : memref<2x88x128xf32, #tpu.memory_space<vmem>> -> memref<1x88x128xf32, #tpu.memory_space<vmem>>
        %dma_wait3A_142 = tpu.memref_squeeze %dma_wait3A_141 : memref<1x88x128xf32, #tpu.memory_space<vmem>> -> memref<88x128xf32, #tpu.memory_space<vmem>>
        %dma_wait3A_143 = arith.constant 0 : i32
        %dma_wait3A_144 = tpu.memref_slice %arg7[%add3A_125, %dma_wait3A_143] : memref<114x88xi32, #tpu.memory_space<vmem>> -> memref<1x88xi32, #tpu.memory_space<vmem>>
        %dma_wait3A_145 = tpu.memref_squeeze %dma_wait3A_144 : memref<1x88xi32, #tpu.memory_space<vmem>> -> memref<88xi32, #tpu.memory_space<vmem>>
        %dma_wait3A_146 = arith.constant 0 : i32
        %dma_wait3A_147 = arith.constant 0 : i32
        %dma_wait3A_148 = tpu.memref_slice %arg9[%dma_wait3A_146, %dma_wait3A_147] : memref<10048x128xf32, #tpu.memory_space<vmem_shared>> -> memref<10048x128xf32, #tpu.memory_space<vmem_shared>>
        tpu.wait_indirect_dma semaphore(%run_scoped3A_128 : memref<!tpu.dma_semaphore, #tpu.memory_space<semaphore_mem>>) src(%dma_wait3A_142 : memref<88x128xf32, #tpu.memory_space<vmem>>) dst(%dma_wait3A_148 : memref<10048x128xf32, #tpu.memory_space<vmem_shared>>)
        tpu.yield
      }) : () -> ()
      %scan3A_127 = arith.constant 0 : i32
      scf.yield %scan3A_127 : i32
    }
    %scan3A_34 = arith.constant 57 : i32
    %dma_wait3A = arith.constant 0 : i32
    %dma_wait3A_35 = arith.constant 0 : i32
    %dma_wait3A_36 = arith.constant 0 : i32
    %dma_wait3A_37 = tpu.memref_slice %arg8[%dma_wait3A, %dma_wait3A_35, %dma_wait3A_36] : memref<2x88x128xf32, #tpu.memory_space<vmem>> -> memref<1x88x128xf32, #tpu.memory_space<vmem>>
    %dma_wait3A_38 = tpu.memref_squeeze %dma_wait3A_37 : memref<1x88x128xf32, #tpu.memory_space<vmem>> -> memref<88x128xf32, #tpu.memory_space<vmem>>
    %dma_wait3A_39 = arith.constant 0 : i32
    %dma_wait3A_40 = arith.constant 0 : i32
    %dma_wait3A_41 = tpu.memref_slice %arg5[%arg0, %dma_wait3A_39, %dma_wait3A_40] : memref<2x10048x128xf32, #tpu.memory_space<hbm>> -> memref<1x88x128xf32, #tpu.memory_space<hbm>>
    %dma_wait3A_42 = tpu.memref_squeeze %dma_wait3A_41 : memref<1x88x128xf32, #tpu.memory_space<hbm>> -> memref<88x128xf32, #tpu.memory_space<hbm>>
    %dma_wait3A_43 = arith.constant 0 : i32
    %dma_wait3A_44 = arith.constant 0 : i32
    %dma_wait3A_45 = tpu.memref_slice %arg8[%dma_wait3A, %dma_wait3A_43, %dma_wait3A_44] : memref<2x88x128xf32, #tpu.memory_space<vmem>> -> memref<1x88x128xf32, #tpu.memory_space<vmem>>
    %dma_wait3A_46 = tpu.memref_squeeze %dma_wait3A_45 : memref<1x88x128xf32, #tpu.memory_space<vmem>> -> memref<88x128xf32, #tpu.memory_space<vmem>>
    %dma_wait3A_47 = arith.constant 0 : i32
    %dma_wait3A_48 = arith.constant 0 : i32
    %dma_wait3A_49 = tpu.memref_slice %arg5[%arg0, %dma_wait3A_47, %dma_wait3A_48] : memref<2x10048x128xf32, #tpu.memory_space<hbm>> -> memref<1x88x128xf32, #tpu.memory_space<hbm>>
    %dma_wait3A_50 = tpu.memref_squeeze %dma_wait3A_49 : memref<1x88x128xf32, #tpu.memory_space<hbm>> -> memref<88x128xf32, #tpu.memory_space<hbm>>
    tpu.wait_dma2 semaphore(%arg10 : memref<!tpu.dma_semaphore, #tpu.memory_space<semaphore_mem>>) src(%dma_wait3A_50 : memref<88x128xf32, #tpu.memory_space<hbm>>) dst(%dma_wait3A_46 : memref<88x128xf32, #tpu.memory_space<vmem>>)
    %barrier3A_51 = arith.constant 0 : index
    tpu.barrier barrier_id(%barrier3A_51)
    %mul3A_52 = arith.constant 628 : i32
    %mul3A_53 = arith.muli %arg1, %mul3A_52 : i32
    %mul3A_54 = arith.constant 628 : i32
    %mul3A_55 = arith.muli %arg1, %mul3A_54 : i32
    "tpu.region"() ({
      %run_scoped3A_56 = tpu.sem_alloc : memref<!tpu.dma_semaphore, #tpu.memory_space<semaphore_mem>>
      %dma_start3A_57 = arith.constant 0 : i32
      %dma_start3A_58 = tpu.memref_slice %arg5[%arg0, %mul3A_55, %dma_start3A_57] : memref<2x10048x128xf32, #tpu.memory_space<hbm>> -> memref<1x628x128xf32, #tpu.memory_space<hbm>>
      %dma_start3A_59 = tpu.memref_squeeze %dma_start3A_58 : memref<1x628x128xf32, #tpu.memory_space<hbm>> -> memref<628x128xf32, #tpu.memory_space<hbm>>
      %dma_start3A_60 = arith.constant 0 : i32
      %dma_start3A_61 = tpu.memref_slice %arg9[%mul3A_53, %dma_start3A_60] : memref<10048x128xf32, #tpu.memory_space<vmem_shared>> -> memref<628x128xf32, #tpu.memory_space<vmem_shared>>
      tpu.enqueue_dma source(%dma_start3A_61 : memref<628x128xf32, #tpu.memory_space<vmem_shared>>) target(%dma_start3A_59 : memref<628x128xf32, #tpu.memory_space<hbm>>) target_semaphore(%run_scoped3A_56 : memref<!tpu.dma_semaphore, #tpu.memory_space<semaphore_mem>>)
      %dma_wait3A_62 = arith.constant 0 : i32
      %dma_wait3A_63 = tpu.memref_slice %arg5[%arg0, %mul3A_55, %dma_wait3A_62] : memref<2x10048x128xf32, #tpu.memory_space<hbm>> -> memref<1x628x128xf32, #tpu.memory_space<hbm>>
      %dma_wait3A_64 = tpu.memref_squeeze %dma_wait3A_63 : memref<1x628x128xf32, #tpu.memory_space<hbm>> -> memref<628x128xf32, #tpu.memory_space<hbm>>
      %dma_wait3A_65 = arith.constant 0 : i32
      %dma_wait3A_66 = tpu.memref_slice %arg9[%mul3A_53, %dma_wait3A_65] : memref<10048x128xf32, #tpu.memory_space<vmem_shared>> -> memref<628x128xf32, #tpu.memory_space<vmem_shared>>
      tpu.wait_dma2 semaphore(%run_scoped3A_56 : memref<!tpu.dma_semaphore, #tpu.memory_space<semaphore_mem>>) src(%dma_wait3A_66 : memref<628x128xf32, #tpu.memory_space<vmem_shared>>) dst(%dma_wait3A_64 : memref<628x128xf32, #tpu.memory_space<hbm>>)
      tpu.yield
    }) : () -> ()
    return
  }
}

#map = affine_map<(d0, d1) -> (0, 0)>
#map1 = affine_map<(d0, d1) -> (0, 0, 0, 0)>
#map2 = affine_map<(d0, d1) -> (0, 0, 0)>
module attributes {stable_mosaic.version = 14 : i64} {
  func.func @_agg_body(%arg0: i32, %arg1: i32, %arg2: memref<10048x128xf32, #tpu.memory_space<hbm>>, %arg3: memref<2x16x114x88xi32, #tpu.memory_space<hbm>>, %arg4: memref<2x16x114x88xi32, #tpu.memory_space<hbm>>, %arg5: memref<2x10048x128xf32, #tpu.memory_space<hbm>>, %arg6: memref<114x88xi32, #tpu.memory_space<vmem>>, %arg7: memref<114x88xi32, #tpu.memory_space<vmem>>, %arg8: memref<2x88x128xf32, #tpu.memory_space<vmem>>, %arg9: memref<10048x128xf32, #tpu.memory_space<vmem_shared>>, %arg10: memref<!tpu.dma_semaphore, #tpu.memory_space<semaphore_mem>>, %arg11: memref<!tpu.dma_semaphore, #tpu.memory_space<semaphore_mem>>) attributes {dimension_semantics = [#tpu.dimension_semantics<core_parallel>, #tpu.dimension_semantics<subcore_parallel>], iteration_bounds = array<i64: 2, 16>, scalar_prefetch = 0 : i64, scratch_operands = 6 : i64, tpu.core_type = #tpu.core_type<sc_vector_subcore>, window_params = [{transform_indices = #map}, {transform_indices = #map1}, {transform_indices = #map1}, {transform_indices = #map2}]} {
    %broadcast_in_dim3A = arith.constant 0.000000e+00 : f32
    %broadcast_in_dim3A_0 = vector.broadcast %broadcast_in_dim3A : f32 to vector<16xf32>
    %scan3A = arith.constant 0 : i32
    %scan3A_1 = arith.constant 0 : i32
    %scan3A_2 = arith.constant 704 : i32
    %scan3A_3 = arith.addi %scan3A_1, %scan3A_2 : i32
    %scan3A_4 = arith.constant 1 : i32
    %scan3A_5 = scf.for %scan3A_56 = %scan3A_1 to %scan3A_3 step %scan3A_4 iter_args(%scan3A_57 = %scan3A) -> (i32)  : i32 {
      %jit3A = arith.constant 8 : i32
      %div3A = arith.divsi %scan3A_56, %jit3A : i32
      %sign3A = arith.constant 0 : i32
      %sign3A_58 = arith.cmpi sgt, %scan3A_56, %sign3A : i32
      %sign3A_59 = arith.extui %sign3A_58 : i1 to i32
      %sign3A_60 = arith.constant 0 : i32
      %sign3A_61 = arith.cmpi slt, %scan3A_56, %sign3A_60 : i32
      %sign3A_62 = arith.extui %sign3A_61 : i1 to i32
      %sign3A_63 = arith.subi %sign3A_59, %sign3A_62 : i32
      %sign3A_64 = arith.constant 0 : i32
      %sign3A_65 = arith.cmpi sgt, %jit3A, %sign3A_64 : i32
      %sign3A_66 = arith.extui %sign3A_65 : i1 to i32
      %sign3A_67 = arith.constant 0 : i32
      %sign3A_68 = arith.cmpi slt, %jit3A, %sign3A_67 : i32
      %sign3A_69 = arith.extui %sign3A_68 : i1 to i32
      %sign3A_70 = arith.subi %sign3A_66, %sign3A_69 : i32
      %ne3A = arith.cmpi ne, %sign3A_63, %sign3A_70 : i32
      %rem3A = arith.remsi %scan3A_56, %jit3A : i32
      %ne3A_71 = arith.constant 0 : i32
      %ne3A_72 = arith.cmpi ne, %rem3A, %ne3A_71 : i32
      %and3A = arith.andi %ne3A, %ne3A_72 : i1
      %sub3A_73 = arith.constant 1 : i32
      %sub3A_74 = arith.subi %div3A, %sub3A_73 : i32
      %select_n3A = arith.select %and3A, %sub3A_74, %div3A : i32
      %jit3A_75 = arith.constant 8 : i32
      %eq3A = arith.constant 0 : i32
      %eq3A_76 = arith.cmpi eq, %jit3A_75, %eq3A : i32
      %jit3A_77 = arith.constant 1 : i32
      %select_n3A_78 = arith.select %eq3A_76, %jit3A_77, %jit3A_75 : i32
      %rem3A_79 = arith.remsi %scan3A_56, %select_n3A_78 : i32
      %ne3A_80 = arith.constant 0 : i32
      %ne3A_81 = arith.cmpi ne, %rem3A_79, %ne3A_80 : i32
      %lt3A = arith.constant 0 : i32
      %lt3A_82 = arith.cmpi slt, %rem3A_79, %lt3A : i32
      %lt3A_83 = arith.constant 0 : i32
      %lt3A_84 = arith.cmpi slt, %select_n3A_78, %lt3A_83 : i32
      %ne3A_85 = arith.xori %lt3A_82, %lt3A_84 : i1
      %and3A_86 = arith.andi %ne3A_85, %ne3A_81 : i1
      %add3A_87 = arith.addi %rem3A_79, %select_n3A_78 : i32
      %select_n3A_88 = arith.select %and3A_86, %add3A_87, %rem3A_79 : i32
      %mul3A_89 = arith.constant 16 : i32
      %mul3A_90 = arith.muli %select_n3A_88, %mul3A_89 : i32
      %swap3A = arith.constant 0 : i32
      %swap3A_91 = arith.index_cast %swap3A : i32 to index
      %swap3A_92 = arith.index_cast %select_n3A : i32 to index
      %swap3A_93 = arith.index_cast %mul3A_90 : i32 to index
      %swap3A_94 = tpu.vector_load %arg8[%swap3A_91, %swap3A_92, %swap3A_93] {strides = array<i32>} : memref<2x88x128xf32, #tpu.memory_space<vmem>>, vector<16xf32>,
      tpu.vector_store %arg8[%swap3A_91, %swap3A_92, %swap3A_93], %broadcast_in_dim3A_0 {strides = array<i32>} : memref<2x88x128xf32, #tpu.memory_space<vmem>>, vector<16xf32>,
      %scan3A_95 = arith.constant 0 : i32
      scf.yield %scan3A_95 : i32
    }
    %scan3A_6 = arith.constant 704 : i32
    %scan3A_7 = arith.constant 0 : i32
    %scan3A_8 = arith.constant 0 : i32
    %scan3A_9 = arith.constant 7 : i32
    %scan3A_10 = arith.addi %scan3A_8, %scan3A_9 : i32
    %scan3A_11 = arith.constant 1 : i32
    %scan3A_12 = scf.for %scan3A_56 = %scan3A_8 to %scan3A_10 step %scan3A_11 iter_args(%scan3A_57 = %scan3A_7) -> (i32)  : i32 {
      %mul3A_58 = arith.constant 628 : i32
      %mul3A_59 = arith.muli %arg1, %mul3A_58 : i32
      %mul3A_60 = arith.constant 88 : i32
      %mul3A_61 = arith.muli %scan3A_56, %mul3A_60 : i32
      %add3A_62 = arith.addi %mul3A_59, %mul3A_61 : i32
      %run_scoped3A_63 = arith.constant 0 : i32
      "tpu.region"() ({
        %run_scoped3A_65 = tpu.sem_alloc : memref<!tpu.dma_semaphore, #tpu.memory_space<semaphore_mem>>
        %dma_start3A_66 = arith.constant 0 : i32
        %dma_start3A_67 = arith.constant 0 : i32
        %dma_start3A_68 = tpu.memref_slice %arg8[%run_scoped3A_63, %dma_start3A_66, %dma_start3A_67] : memref<2x88x128xf32, #tpu.memory_space<vmem>> -> memref<1x88x128xf32, #tpu.memory_space<vmem>>
        %dma_start3A_69 = tpu.memref_squeeze %dma_start3A_68 : memref<1x88x128xf32, #tpu.memory_space<vmem>> -> memref<88x128xf32, #tpu.memory_space<vmem>>
        %dma_start3A_70 = arith.constant 0 : i32
        %dma_start3A_71 = tpu.memref_slice %arg9[%add3A_62, %dma_start3A_70] : memref<10048x128xf32, #tpu.memory_space<vmem_shared>> -> memref<88x128xf32, #tpu.memory_space<vmem_shared>>
        %dma_start3A_72 = arith.constant 0 : i32
        %dma_start3A_73 = tpu.memref_slice %arg9[%add3A_62, %dma_start3A_72] : memref<10048x128xf32, #tpu.memory_space<vmem_shared>> -> memref<88x128xf32, #tpu.memory_space<vmem_shared>>
        %dma_start3A_74 = arith.constant 0 : i32
        %dma_start3A_75 = arith.constant 0 : i32
        %dma_start3A_76 = tpu.memref_slice %arg8[%run_scoped3A_63, %dma_start3A_74, %dma_start3A_75] : memref<2x88x128xf32, #tpu.memory_space<vmem>> -> memref<1x88x128xf32, #tpu.memory_space<vmem>>
        %dma_start3A_77 = tpu.memref_squeeze %dma_start3A_76 : memref<1x88x128xf32, #tpu.memory_space<vmem>> -> memref<88x128xf32, #tpu.memory_space<vmem>>
        tpu.enqueue_dma source(%dma_start3A_77 : memref<88x128xf32, #tpu.memory_space<vmem>>) target(%dma_start3A_73 : memref<88x128xf32, #tpu.memory_space<vmem_shared>>) target_semaphore(%run_scoped3A_65 : memref<!tpu.dma_semaphore, #tpu.memory_space<semaphore_mem>>)
        %dma_wait3A_78 = arith.constant 0 : i32
        %dma_wait3A_79 = arith.constant 0 : i32
        %dma_wait3A_80 = tpu.memref_slice %arg8[%run_scoped3A_63, %dma_wait3A_78, %dma_wait3A_79] : memref<2x88x128xf32, #tpu.memory_space<vmem>> -> memref<1x88x128xf32, #tpu.memory_space<vmem>>
        %dma_wait3A_81 = tpu.memref_squeeze %dma_wait3A_80 : memref<1x88x128xf32, #tpu.memory_space<vmem>> -> memref<88x128xf32, #tpu.memory_space<vmem>>
        %dma_wait3A_82 = arith.constant 0 : i32
        %dma_wait3A_83 = tpu.memref_slice %arg9[%add3A_62, %dma_wait3A_82] : memref<10048x128xf32, #tpu.memory_space<vmem_shared>> -> memref<88x128xf32, #tpu.memory_space<vmem_shared>>
        %dma_wait3A_84 = arith.constant 0 : i32
        %dma_wait3A_85 = tpu.memref_slice %arg9[%add3A_62, %dma_wait3A_84] : memref<10048x128xf32, #tpu.memory_space<vmem_shared>> -> memref<88x128xf32, #tpu.memory_space<vmem_shared>>
        %dma_wait3A_86 = arith.constant 0 : i32
        %dma_wait3A_87 = arith.constant 0 : i32
        %dma_wait3A_88 = tpu.memref_slice %arg8[%run_scoped3A_63, %dma_wait3A_86, %dma_wait3A_87] : memref<2x88x128xf32, #tpu.memory_space<vmem>> -> memref<1x88x128xf32, #tpu.memory_space<vmem>>
        %dma_wait3A_89 = tpu.memref_squeeze %dma_wait3A_88 : memref<1x88x128xf32, #tpu.memory_space<vmem>> -> memref<88x128xf32, #tpu.memory_space<vmem>>
        tpu.wait_dma2 semaphore(%run_scoped3A_65 : memref<!tpu.dma_semaphore, #tpu.memory_space<semaphore_mem>>) src(%dma_wait3A_89 : memref<88x128xf32, #tpu.memory_space<vmem>>) dst(%dma_wait3A_85 : memref<88x128xf32, #tpu.memory_space<vmem_shared>>)
        tpu.yield
      }) : () -> ()
      %scan3A_64 = arith.constant 0 : i32
      scf.yield %scan3A_64 : i32
    }
    %scan3A_13 = arith.constant 7 : i32
    %mul3A = arith.constant 628 : i32
    %mul3A_14 = arith.muli %arg1, %mul3A : i32
    %add3A = arith.constant 628 : i32
    %add3A_15 = arith.addi %mul3A_14, %add3A : i32
    %sub3A = arith.constant 12 : i32
    %sub3A_16 = arith.subi %add3A_15, %sub3A : i32
    %run_scoped3A = arith.constant 0 : i32
    "tpu.region"() ({
      %run_scoped3A_56 = tpu.sem_alloc : memref<!tpu.dma_semaphore, #tpu.memory_space<semaphore_mem>>
      %dma_start3A_57 = arith.constant 0 : i32
      %dma_start3A_58 = arith.constant 0 : i32
      %dma_start3A_59 = tpu.memref_slice %arg8[%run_scoped3A, %dma_start3A_57, %dma_start3A_58] : memref<2x88x128xf32, #tpu.memory_space<vmem>> -> memref<1x12x128xf32, #tpu.memory_space<vmem>>
      %dma_start3A_60 = tpu.memref_squeeze %dma_start3A_59 : memref<1x12x128xf32, #tpu.memory_space<vmem>> -> memref<12x128xf32, #tpu.memory_space<vmem>>
      %dma_start3A_61 = arith.constant 0 : i32
      %dma_start3A_62 = tpu.memref_slice %arg9[%sub3A_16, %dma_start3A_61] : memref<10048x128xf32, #tpu.memory_space<vmem_shared>> -> memref<12x128xf32, #tpu.memory_space<vmem_shared>>
      %dma_start3A_63 = arith.constant 0 : i32
      %dma_start3A_64 = tpu.memref_slice %arg9[%sub3A_16, %dma_start3A_63] : memref<10048x128xf32, #tpu.memory_space<vmem_shared>> -> memref<12x128xf32, #tpu.memory_space<vmem_shared>>
      %dma_start3A_65 = arith.constant 0 : i32
      %dma_start3A_66 = arith.constant 0 : i32
      %dma_start3A_67 = tpu.memref_slice %arg8[%run_scoped3A, %dma_start3A_65, %dma_start3A_66] : memref<2x88x128xf32, #tpu.memory_space<vmem>> -> memref<1x12x128xf32, #tpu.memory_space<vmem>>
      %dma_start3A_68 = tpu.memref_squeeze %dma_start3A_67 : memref<1x12x128xf32, #tpu.memory_space<vmem>> -> memref<12x128xf32, #tpu.memory_space<vmem>>
      tpu.enqueue_dma source(%dma_start3A_68 : memref<12x128xf32, #tpu.memory_space<vmem>>) target(%dma_start3A_64 : memref<12x128xf32, #tpu.memory_space<vmem_shared>>) target_semaphore(%run_scoped3A_56 : memref<!tpu.dma_semaphore, #tpu.memory_space<semaphore_mem>>)
      %dma_wait3A_69 = arith.constant 0 : i32
      %dma_wait3A_70 = arith.constant 0 : i32
      %dma_wait3A_71 = tpu.memref_slice %arg8[%run_scoped3A, %dma_wait3A_69, %dma_wait3A_70] : memref<2x88x128xf32, #tpu.memory_space<vmem>> -> memref<1x12x128xf32, #tpu.memory_space<vmem>>
      %dma_wait3A_72 = tpu.memref_squeeze %dma_wait3A_71 : memref<1x12x128xf32, #tpu.memory_space<vmem>> -> memref<12x128xf32, #tpu.memory_space<vmem>>
      %dma_wait3A_73 = arith.constant 0 : i32
      %dma_wait3A_74 = tpu.memref_slice %arg9[%sub3A_16, %dma_wait3A_73] : memref<10048x128xf32, #tpu.memory_space<vmem_shared>> -> memref<12x128xf32, #tpu.memory_space<vmem_shared>>
      %dma_wait3A_75 = arith.constant 0 : i32
      %dma_wait3A_76 = tpu.memref_slice %arg9[%sub3A_16, %dma_wait3A_75] : memref<10048x128xf32, #tpu.memory_space<vmem_shared>> -> memref<12x128xf32, #tpu.memory_space<vmem_shared>>
      %dma_wait3A_77 = arith.constant 0 : i32
      %dma_wait3A_78 = arith.constant 0 : i32
      %dma_wait3A_79 = tpu.memref_slice %arg8[%run_scoped3A, %dma_wait3A_77, %dma_wait3A_78] : memref<2x88x128xf32, #tpu.memory_space<vmem>> -> memref<1x12x128xf32, #tpu.memory_space<vmem>>
      %dma_wait3A_80 = tpu.memref_squeeze %dma_wait3A_79 : memref<1x12x128xf32, #tpu.memory_space<vmem>> -> memref<12x128xf32, #tpu.memory_space<vmem>>
      tpu.wait_dma2 semaphore(%run_scoped3A_56 : memref<!tpu.dma_semaphore, #tpu.memory_space<semaphore_mem>>) src(%dma_wait3A_80 : memref<12x128xf32, #tpu.memory_space<vmem>>) dst(%dma_wait3A_76 : memref<12x128xf32, #tpu.memory_space<vmem_shared>>)
      tpu.yield
    }) : () -> ()
    "tpu.region"() ({
      %run_scoped3A_56 = tpu.sem_alloc : memref<!tpu.dma_semaphore, #tpu.memory_space<semaphore_mem>>
      %dma_start3A_57 = arith.constant 0 : i32
      %dma_start3A_58 = arith.constant 0 : i32
      %dma_start3A_59 = tpu.memref_slice %arg3[%arg0, %arg1, %dma_start3A_57, %dma_start3A_58] : memref<2x16x114x88xi32, #tpu.memory_space<hbm>> -> memref<1x1x114x88xi32, #tpu.memory_space<hbm>>
      %dma_start3A_60 = tpu.memref_squeeze %dma_start3A_59 : memref<1x1x114x88xi32, #tpu.memory_space<hbm>> -> memref<114x88xi32, #tpu.memory_space<hbm>>
      %dma_start3A_61 = arith.constant 0 : i32
      %dma_start3A_62 = arith.constant 0 : i32
      %dma_start3A_63 = tpu.memref_slice %arg3[%arg0, %arg1, %dma_start3A_61, %dma_start3A_62] : memref<2x16x114x88xi32, #tpu.memory_space<hbm>> -> memref<1x1x114x88xi32, #tpu.memory_space<hbm>>
      %dma_start3A_64 = tpu.memref_squeeze %dma_start3A_63 : memref<1x1x114x88xi32, #tpu.memory_space<hbm>> -> memref<114x88xi32, #tpu.memory_space<hbm>>
      tpu.enqueue_dma source(%dma_start3A_64 : memref<114x88xi32, #tpu.memory_space<hbm>>) target(%arg6 : memref<114x88xi32, #tpu.memory_space<vmem>>) target_semaphore(%run_scoped3A_56 : memref<!tpu.dma_semaphore, #tpu.memory_space<semaphore_mem>>)
      %dma_wait3A_65 = arith.constant 0 : i32
      %dma_wait3A_66 = arith.constant 0 : i32
      %dma_wait3A_67 = tpu.memref_slice %arg3[%arg0, %arg1, %dma_wait3A_65, %dma_wait3A_66] : memref<2x16x114x88xi32, #tpu.memory_space<hbm>> -> memref<1x1x114x88xi32, #tpu.memory_space<hbm>>
      %dma_wait3A_68 = tpu.memref_squeeze %dma_wait3A_67 : memref<1x1x114x88xi32, #tpu.memory_space<hbm>> -> memref<114x88xi32, #tpu.memory_space<hbm>>
      %dma_wait3A_69 = arith.constant 0 : i32
      %dma_wait3A_70 = arith.constant 0 : i32
      %dma_wait3A_71 = tpu.memref_slice %arg3[%arg0, %arg1, %dma_wait3A_69, %dma_wait3A_70] : memref<2x16x114x88xi32, #tpu.memory_space<hbm>> -> memref<1x1x114x88xi32, #tpu.memory_space<hbm>>
      %dma_wait3A_72 = tpu.memref_squeeze %dma_wait3A_71 : memref<1x1x114x88xi32, #tpu.memory_space<hbm>> -> memref<114x88xi32, #tpu.memory_space<hbm>>
      tpu.wait_dma2 semaphore(%run_scoped3A_56 : memref<!tpu.dma_semaphore, #tpu.memory_space<semaphore_mem>>) src(%dma_wait3A_72 : memref<114x88xi32, #tpu.memory_space<hbm>>) dst(%arg6 : memref<114x88xi32, #tpu.memory_space<vmem>>)
      tpu.yield
    }) : () -> ()
    "tpu.region"() ({
      %run_scoped3A_56 = tpu.sem_alloc : memref<!tpu.dma_semaphore, #tpu.memory_space<semaphore_mem>>
      %dma_start3A_57 = arith.constant 0 : i32
      %dma_start3A_58 = arith.constant 0 : i32
      %dma_start3A_59 = tpu.memref_slice %arg4[%arg0, %arg1, %dma_start3A_57, %dma_start3A_58] : memref<2x16x114x88xi32, #tpu.memory_space<hbm>> -> memref<1x1x114x88xi32, #tpu.memory_space<hbm>>
      %dma_start3A_60 = tpu.memref_squeeze %dma_start3A_59 : memref<1x1x114x88xi32, #tpu.memory_space<hbm>> -> memref<114x88xi32, #tpu.memory_space<hbm>>
      %dma_start3A_61 = arith.constant 0 : i32
      %dma_start3A_62 = arith.constant 0 : i32
      %dma_start3A_63 = tpu.memref_slice %arg4[%arg0, %arg1, %dma_start3A_61, %dma_start3A_62] : memref<2x16x114x88xi32, #tpu.memory_space<hbm>> -> memref<1x1x114x88xi32, #tpu.memory_space<hbm>>
      %dma_start3A_64 = tpu.memref_squeeze %dma_start3A_63 : memref<1x1x114x88xi32, #tpu.memory_space<hbm>> -> memref<114x88xi32, #tpu.memory_space<hbm>>
      tpu.enqueue_dma source(%dma_start3A_64 : memref<114x88xi32, #tpu.memory_space<hbm>>) target(%arg7 : memref<114x88xi32, #tpu.memory_space<vmem>>) target_semaphore(%run_scoped3A_56 : memref<!tpu.dma_semaphore, #tpu.memory_space<semaphore_mem>>)
      %dma_wait3A_65 = arith.constant 0 : i32
      %dma_wait3A_66 = arith.constant 0 : i32
      %dma_wait3A_67 = tpu.memref_slice %arg4[%arg0, %arg1, %dma_wait3A_65, %dma_wait3A_66] : memref<2x16x114x88xi32, #tpu.memory_space<hbm>> -> memref<1x1x114x88xi32, #tpu.memory_space<hbm>>
      %dma_wait3A_68 = tpu.memref_squeeze %dma_wait3A_67 : memref<1x1x114x88xi32, #tpu.memory_space<hbm>> -> memref<114x88xi32, #tpu.memory_space<hbm>>
      %dma_wait3A_69 = arith.constant 0 : i32
      %dma_wait3A_70 = arith.constant 0 : i32
      %dma_wait3A_71 = tpu.memref_slice %arg4[%arg0, %arg1, %dma_wait3A_69, %dma_wait3A_70] : memref<2x16x114x88xi32, #tpu.memory_space<hbm>> -> memref<1x1x114x88xi32, #tpu.memory_space<hbm>>
      %dma_wait3A_72 = tpu.memref_squeeze %dma_wait3A_71 : memref<1x1x114x88xi32, #tpu.memory_space<hbm>> -> memref<114x88xi32, #tpu.memory_space<hbm>>
      tpu.wait_dma2 semaphore(%run_scoped3A_56 : memref<!tpu.dma_semaphore, #tpu.memory_space<semaphore_mem>>) src(%dma_wait3A_72 : memref<114x88xi32, #tpu.memory_space<hbm>>) dst(%arg7 : memref<114x88xi32, #tpu.memory_space<vmem>>)
      tpu.yield
    }) : () -> ()
    %dma_start3A = arith.constant 0 : i32
    %dma_start3A_17 = arith.constant 0 : i32
    %dma_start3A_18 = arith.constant 0 : i32
    %dma_start3A_19 = arith.constant 0 : i32
    %dma_start3A_20 = tpu.memref_slice %arg8[%dma_start3A_17, %dma_start3A_18, %dma_start3A_19] : memref<2x88x128xf32, #tpu.memory_space<vmem>> -> memref<1x88x128xf32, #tpu.memory_space<vmem>>
    %dma_start3A_21 = tpu.memref_squeeze %dma_start3A_20 : memref<1x88x128xf32, #tpu.memory_space<vmem>> -> memref<88x128xf32, #tpu.memory_space<vmem>>
    %dma_start3A_22 = arith.constant 0 : i32
    %dma_start3A_23 = tpu.memref_slice %arg6[%dma_start3A, %dma_start3A_22] : memref<114x88xi32, #tpu.memory_space<vmem>> -> memref<1x88xi32, #tpu.memory_space<vmem>>
    %dma_start3A_24 = tpu.memref_squeeze %dma_start3A_23 : memref<1x88xi32, #tpu.memory_space<vmem>> -> memref<88xi32, #tpu.memory_space<vmem>>
    %dma_start3A_25 = arith.constant 0 : i32
    %dma_start3A_26 = arith.constant 0 : i32
    %dma_start3A_27 = tpu.memref_slice %arg2[%dma_start3A_25, %dma_start3A_26] : memref<10048x128xf32, #tpu.memory_space<hbm>> -> memref<10048x128xf32, #tpu.memory_space<hbm>>
    tpu.enqueue_indirect_dma source(%dma_start3A_27 : memref<10048x128xf32, #tpu.memory_space<hbm>>) target(%dma_start3A_21 : memref<88x128xf32, #tpu.memory_space<vmem>>) offsets(%dma_start3A_24 : memref<88xi32, #tpu.memory_space<vmem>>) semaphore(%arg10 : memref<!tpu.dma_semaphore, #tpu.memory_space<semaphore_mem>>)
    %barrier3A = arith.constant 0 : index
    tpu.barrier barrier_id(%barrier3A)
    %scan3A_28 = arith.constant 0 : i32
    %scan3A_29 = arith.constant 0 : i32
    %scan3A_30 = arith.constant 57 : i32
    %scan3A_31 = arith.addi %scan3A_29, %scan3A_30 : i32
    %scan3A_32 = arith.constant 1 : i32
    %scan3A_33 = scf.for %scan3A_56 = %scan3A_29 to %scan3A_31 step %scan3A_32 iter_args(%scan3A_57 = %scan3A_28) -> (i32)  : i32 {
      %mul3A_58 = arith.constant 2 : i32
      %mul3A_59 = arith.muli %mul3A_58, %scan3A_56 : i32
      %dma_wait3A_60 = arith.constant 0 : i32
      %dma_wait3A_61 = arith.constant 0 : i32
      %dma_wait3A_62 = arith.constant 0 : i32
      %dma_wait3A_63 = tpu.memref_slice %arg8[%dma_wait3A_60, %dma_wait3A_61, %dma_wait3A_62] : memref<2x88x128xf32, #tpu.memory_space<vmem>> -> memref<1x88x128xf32, #tpu.memory_space<vmem>>
      %dma_wait3A_64 = tpu.memref_squeeze %dma_wait3A_63 : memref<1x88x128xf32, #tpu.memory_space<vmem>> -> memref<88x128xf32, #tpu.memory_space<vmem>>
      %dma_wait3A_65 = arith.constant 0 : i32
      %dma_wait3A_66 = arith.constant 0 : i32
      %dma_wait3A_67 = tpu.memref_slice %arg5[%arg0, %dma_wait3A_65, %dma_wait3A_66] : memref<2x10048x128xf32, #tpu.memory_space<hbm>> -> memref<1x88x128xf32, #tpu.memory_space<hbm>>
      %dma_wait3A_68 = tpu.memref_squeeze %dma_wait3A_67 : memref<1x88x128xf32, #tpu.memory_space<hbm>> -> memref<88x128xf32, #tpu.memory_space<hbm>>
      %dma_wait3A_69 = arith.constant 0 : i32
      %dma_wait3A_70 = arith.constant 0 : i32
      %dma_wait3A_71 = tpu.memref_slice %arg8[%dma_wait3A_60, %dma_wait3A_69, %dma_wait3A_70] : memref<2x88x128xf32, #tpu.memory_space<vmem>> -> memref<1x88x128xf32, #tpu.memory_space<vmem>>
      %dma_wait3A_72 = tpu.memref_squeeze %dma_wait3A_71 : memref<1x88x128xf32, #tpu.memory_space<vmem>> -> memref<88x128xf32, #tpu.memory_space<vmem>>
      %dma_wait3A_73 = arith.constant 0 : i32
      %dma_wait3A_74 = arith.constant 0 : i32
      %dma_wait3A_75 = tpu.memref_slice %arg5[%arg0, %dma_wait3A_73, %dma_wait3A_74] : memref<2x10048x128xf32, #tpu.memory_space<hbm>> -> memref<1x88x128xf32, #tpu.memory_space<hbm>>
      %dma_wait3A_76 = tpu.memref_squeeze %dma_wait3A_75 : memref<1x88x128xf32, #tpu.memory_space<hbm>> -> memref<88x128xf32, #tpu.memory_space<hbm>>
      tpu.wait_dma2 semaphore(%arg10 : memref<!tpu.dma_semaphore, #tpu.memory_space<semaphore_mem>>) src(%dma_wait3A_76 : memref<88x128xf32, #tpu.memory_space<hbm>>) dst(%dma_wait3A_72 : memref<88x128xf32, #tpu.memory_space<vmem>>)
      %add3A_77 = arith.constant 1 : i32
      %add3A_78 = arith.addi %mul3A_59, %add3A_77 : i32
      %dma_start3A_79 = arith.constant 1 : i32
      %dma_start3A_80 = arith.constant 0 : i32
      %dma_start3A_81 = arith.constant 0 : i32
      %dma_start3A_82 = tpu.memref_slice %arg8[%dma_start3A_79, %dma_start3A_80, %dma_start3A_81] : memref<2x88x128xf32, #tpu.memory_space<vmem>> -> memref<1x88x128xf32, #tpu.memory_space<vmem>>
      %dma_start3A_83 = tpu.memref_squeeze %dma_start3A_82 : memref<1x88x128xf32, #tpu.memory_space<vmem>> -> memref<88x128xf32, #tpu.memory_space<vmem>>
      %dma_start3A_84 = arith.constant 0 : i32
      %dma_start3A_85 = tpu.memref_slice %arg6[%add3A_78, %dma_start3A_84] : memref<114x88xi32, #tpu.memory_space<vmem>> -> memref<1x88xi32, #tpu.memory_space<vmem>>
      %dma_start3A_86 = tpu.memref_squeeze %dma_start3A_85 : memref<1x88xi32, #tpu.memory_space<vmem>> -> memref<88xi32, #tpu.memory_space<vmem>>
      %dma_start3A_87 = arith.constant 0 : i32
      %dma_start3A_88 = arith.constant 0 : i32
      %dma_start3A_89 = tpu.memref_slice %arg2[%dma_start3A_87, %dma_start3A_88] : memref<10048x128xf32, #tpu.memory_space<hbm>> -> memref<10048x128xf32, #tpu.memory_space<hbm>>
      tpu.enqueue_indirect_dma source(%dma_start3A_89 : memref<10048x128xf32, #tpu.memory_space<hbm>>) target(%dma_start3A_83 : memref<88x128xf32, #tpu.memory_space<vmem>>) offsets(%dma_start3A_86 : memref<88xi32, #tpu.memory_space<vmem>>) semaphore(%arg11 : memref<!tpu.dma_semaphore, #tpu.memory_space<semaphore_mem>>)
      %run_scoped3A_90 = arith.constant 0 : i32
      "tpu.region"() ({
        %run_scoped3A_128 = tpu.sem_alloc : memref<!tpu.dma_semaphore, #tpu.memory_space<semaphore_mem>>
        %dma_start3A_129 = arith.constant 0 : i32
        %dma_start3A_130 = arith.constant 0 : i32
        %dma_start3A_131 = tpu.memref_slice %arg8[%run_scoped3A_90, %dma_start3A_129, %dma_start3A_130] : memref<2x88x128xf32, #tpu.memory_space<vmem>> -> memref<1x88x128xf32, #tpu.memory_space<vmem>>
        %dma_start3A_132 = tpu.memref_squeeze %dma_start3A_131 : memref<1x88x128xf32, #tpu.memory_space<vmem>> -> memref<88x128xf32, #tpu.memory_space<vmem>>
        %dma_start3A_133 = arith.constant 0 : i32
        %dma_start3A_134 = tpu.memref_slice %arg7[%mul3A_59, %dma_start3A_133] : memref<114x88xi32, #tpu.memory_space<vmem>> -> memref<1x88xi32, #tpu.memory_space<vmem>>
        %dma_start3A_135 = tpu.memref_squeeze %dma_start3A_134 : memref<1x88xi32, #tpu.memory_space<vmem>> -> memref<88xi32, #tpu.memory_space<vmem>>
        %dma_start3A_136 = arith.constant 0 : i32
        %dma_start3A_137 = arith.constant 0 : i32
        %dma_start3A_138 = tpu.memref_slice %arg9[%dma_start3A_136, %dma_start3A_137] : memref<10048x128xf32, #tpu.memory_space<vmem_shared>> -> memref<10048x128xf32, #tpu.memory_space<vmem_shared>>
        tpu.enqueue_indirect_dma source(%dma_start3A_132 : memref<88x128xf32, #tpu.memory_space<vmem>>) target(%dma_start3A_138 : memref<10048x128xf32, #tpu.memory_space<vmem_shared>>) offsets(%dma_start3A_135 : memref<88xi32, #tpu.memory_space<vmem>>) semaphore(%run_scoped3A_128 : memref<!tpu.dma_semaphore, #tpu.memory_space<semaphore_mem>>) {add = true}
        %dma_wait3A_139 = arith.constant 0 : i32
        %dma_wait3A_140 = arith.constant 0 : i32
        %dma_wait3A_141 = tpu.memref_slice %arg8[%run_scoped3A_90, %dma_wait3A_139, %dma_wait3A_140] : memref<2x88x128xf32, #tpu.memory_space<vmem>> -> memref<1x88x128xf32, #tpu.memory_space<vmem>>
        %dma_wait3A_142 = tpu.memref_squeeze %dma_wait3A_141 : memref<1x88x128xf32, #tpu.memory_space<vmem>> -> memref<88x128xf32, #tpu.memory_space<vmem>>
        %dma_wait3A_143 = arith.constant 0 : i32
        %dma_wait3A_144 = tpu.memref_slice %arg7[%mul3A_59, %dma_wait3A_143] : memref<114x88xi32, #tpu.memory_space<vmem>> -> memref<1x88xi32, #tpu.memory_space<vmem>>
        %dma_wait3A_145 = tpu.memref_squeeze %dma_wait3A_144 : memref<1x88xi32, #tpu.memory_space<vmem>> -> memref<88xi32, #tpu.memory_space<vmem>>
        %dma_wait3A_146 = arith.constant 0 : i32
        %dma_wait3A_147 = arith.constant 0 : i32
        %dma_wait3A_148 = tpu.memref_slice %arg9[%dma_wait3A_146, %dma_wait3A_147] : memref<10048x128xf32, #tpu.memory_space<vmem_shared>> -> memref<10048x128xf32, #tpu.memory_space<vmem_shared>>
        tpu.wait_indirect_dma semaphore(%run_scoped3A_128 : memref<!tpu.dma_semaphore, #tpu.memory_space<semaphore_mem>>) src(%dma_wait3A_142 : memref<88x128xf32, #tpu.memory_space<vmem>>) dst(%dma_wait3A_148 : memref<10048x128xf32, #tpu.memory_space<vmem_shared>>)
        tpu.yield
      }) : () -> ()
      %dma_wait3A_91 = arith.constant 0 : i32
      %dma_wait3A_92 = arith.constant 0 : i32
      %dma_wait3A_93 = arith.constant 0 : i32
      %dma_wait3A_94 = tpu.memref_slice %arg8[%dma_wait3A_91, %dma_wait3A_92, %dma_wait3A_93] : memref<2x88x128xf32, #tpu.memory_space<vmem>> -> memref<1x88x128xf32, #tpu.memory_space<vmem>>
      %dma_wait3A_95 = tpu.memref_squeeze %dma_wait3A_94 : memref<1x88x128xf32, #tpu.memory_space<vmem>> -> memref<88x128xf32, #tpu.memory_space<vmem>>
      %dma_wait3A_96 = arith.constant 0 : i32
      %dma_wait3A_97 = arith.constant 0 : i32
      %dma_wait3A_98 = tpu.memref_slice %arg5[%arg0, %dma_wait3A_96, %dma_wait3A_97] : memref<2x10048x128xf32, #tpu.memory_space<hbm>> -> memref<1x88x128xf32, #tpu.memory_space<hbm>>
      %dma_wait3A_99 = tpu.memref_squeeze %dma_wait3A_98 : memref<1x88x128xf32, #tpu.memory_space<hbm>> -> memref<88x128xf32, #tpu.memory_space<hbm>>
      %dma_wait3A_100 = arith.constant 0 : i32
      %dma_wait3A_101 = arith.constant 0 : i32
      %dma_wait3A_102 = tpu.memref_slice %arg8[%dma_wait3A_91, %dma_wait3A_100, %dma_wait3A_101] : memref<2x88x128xf32, #tpu.memory_space<vmem>> -> memref<1x88x128xf32, #tpu.memory_space<vmem>>
      %dma_wait3A_103 = tpu.memref_squeeze %dma_wait3A_102 : memref<1x88x128xf32, #tpu.memory_space<vmem>> -> memref<88x128xf32, #tpu.memory_space<vmem>>
      %dma_wait3A_104 = arith.constant 0 : i32
      %dma_wait3A_105 = arith.constant 0 : i32
      %dma_wait3A_106 = tpu.memref_slice %arg5[%arg0, %dma_wait3A_104, %dma_wait3A_105] : memref<2x10048x128xf32, #tpu.memory_space<hbm>> -> memref<1x88x128xf32, #tpu.memory_space<hbm>>
      %dma_wait3A_107 = tpu.memref_squeeze %dma_wait3A_106 : memref<1x88x128xf32, #tpu.memory_space<hbm>> -> memref<88x128xf32, #tpu.memory_space<hbm>>
      tpu.wait_dma2 semaphore(%arg11 : memref<!tpu.dma_semaphore, #tpu.memory_space<semaphore_mem>>) src(%dma_wait3A_107 : memref<88x128xf32, #tpu.memory_space<hbm>>) dst(%dma_wait3A_103 : memref<88x128xf32, #tpu.memory_space<vmem>>)
      %add3A_108 = arith.constant 2 : i32
      %add3A_109 = arith.addi %mul3A_59, %add3A_108 : i32
      %lt3A = arith.constant 114 : i32
      %lt3A_110 = arith.cmpi slt, %add3A_109, %lt3A : i32
      %add3A_111 = arith.constant 2 : i32
      %add3A_112 = arith.addi %mul3A_59, %add3A_111 : i32
      %jit3A = arith.constant 0 : i32
      %select_n3A = arith.select %lt3A_110, %add3A_112, %jit3A : i32
      %dma_start3A_113 = arith.constant 0 : i32
      %dma_start3A_114 = arith.constant 0 : i32
      %dma_start3A_115 = arith.constant 0 : i32
      %dma_start3A_116 = tpu.memref_slice %arg8[%dma_start3A_113, %dma_start3A_114, %dma_start3A_115] : memref<2x88x128xf32, #tpu.memory_space<vmem>> -> memref<1x88x128xf32, #tpu.memory_space<vmem>>
      %dma_start3A_117 = tpu.memref_squeeze %dma_start3A_116 : memref<1x88x128xf32, #tpu.memory_space<vmem>> -> memref<88x128xf32, #tpu.memory_space<vmem>>
      %dma_start3A_118 = arith.constant 0 : i32
      %dma_start3A_119 = tpu.memref_slice %arg6[%select_n3A, %dma_start3A_118] : memref<114x88xi32, #tpu.memory_space<vmem>> -> memref<1x88xi32, #tpu.memory_space<vmem>>
      %dma_start3A_120 = tpu.memref_squeeze %dma_start3A_119 : memref<1x88xi32, #tpu.memory_space<vmem>> -> memref<88xi32, #tpu.memory_space<vmem>>
      %dma_start3A_121 = arith.constant 0 : i32
      %dma_start3A_122 = arith.constant 0 : i32
      %dma_start3A_123 = tpu.memref_slice %arg2[%dma_start3A_121, %dma_start3A_122] : memref<10048x128xf32, #tpu.memory_space<hbm>> -> memref<10048x128xf32, #tpu.memory_space<hbm>>
      tpu.enqueue_indirect_dma source(%dma_start3A_123 : memref<10048x128xf32, #tpu.memory_space<hbm>>) target(%dma_start3A_117 : memref<88x128xf32, #tpu.memory_space<vmem>>) offsets(%dma_start3A_120 : memref<88xi32, #tpu.memory_space<vmem>>) semaphore(%arg10 : memref<!tpu.dma_semaphore, #tpu.memory_space<semaphore_mem>>)
      %add3A_124 = arith.constant 1 : i32
      %add3A_125 = arith.addi %mul3A_59, %add3A_124 : i32
      %run_scoped3A_126 = arith.constant 1 : i32
      "tpu.region"() ({
        %run_scoped3A_128 = tpu.sem_alloc : memref<!tpu.dma_semaphore, #tpu.memory_space<semaphore_mem>>
        %dma_start3A_129 = arith.constant 0 : i32
        %dma_start3A_130 = arith.constant 0 : i32
        %dma_start3A_131 = tpu.memref_slice %arg8[%run_scoped3A_126, %dma_start3A_129, %dma_start3A_130] : memref<2x88x128xf32, #tpu.memory_space<vmem>> -> memref<1x88x128xf32, #tpu.memory_space<vmem>>
        %dma_start3A_132 = tpu.memref_squeeze %dma_start3A_131 : memref<1x88x128xf32, #tpu.memory_space<vmem>> -> memref<88x128xf32, #tpu.memory_space<vmem>>
        %dma_start3A_133 = arith.constant 0 : i32
        %dma_start3A_134 = tpu.memref_slice %arg7[%add3A_125, %dma_start3A_133] : memref<114x88xi32, #tpu.memory_space<vmem>> -> memref<1x88xi32, #tpu.memory_space<vmem>>
        %dma_start3A_135 = tpu.memref_squeeze %dma_start3A_134 : memref<1x88xi32, #tpu.memory_space<vmem>> -> memref<88xi32, #tpu.memory_space<vmem>>
        %dma_start3A_136 = arith.constant 0 : i32
        %dma_start3A_137 = arith.constant 0 : i32
        %dma_start3A_138 = tpu.memref_slice %arg9[%dma_start3A_136, %dma_start3A_137] : memref<10048x128xf32, #tpu.memory_space<vmem_shared>> -> memref<10048x128xf32, #tpu.memory_space<vmem_shared>>
        tpu.enqueue_indirect_dma source(%dma_start3A_132 : memref<88x128xf32, #tpu.memory_space<vmem>>) target(%dma_start3A_138 : memref<10048x128xf32, #tpu.memory_space<vmem_shared>>) offsets(%dma_start3A_135 : memref<88xi32, #tpu.memory_space<vmem>>) semaphore(%run_scoped3A_128 : memref<!tpu.dma_semaphore, #tpu.memory_space<semaphore_mem>>) {add = true}
        %dma_wait3A_139 = arith.constant 0 : i32
        %dma_wait3A_140 = arith.constant 0 : i32
        %dma_wait3A_141 = tpu.memref_slice %arg8[%run_scoped3A_126, %dma_wait3A_139, %dma_wait3A_140] : memref<2x88x128xf32, #tpu.memory_space<vmem>> -> memref<1x88x128xf32, #tpu.memory_space<vmem>>
        %dma_wait3A_142 = tpu.memref_squeeze %dma_wait3A_141 : memref<1x88x128xf32, #tpu.memory_space<vmem>> -> memref<88x128xf32, #tpu.memory_space<vmem>>
        %dma_wait3A_143 = arith.constant 0 : i32
        %dma_wait3A_144 = tpu.memref_slice %arg7[%add3A_125, %dma_wait3A_143] : memref<114x88xi32, #tpu.memory_space<vmem>> -> memref<1x88xi32, #tpu.memory_space<vmem>>
        %dma_wait3A_145 = tpu.memref_squeeze %dma_wait3A_144 : memref<1x88xi32, #tpu.memory_space<vmem>> -> memref<88xi32, #tpu.memory_space<vmem>>
        %dma_wait3A_146 = arith.constant 0 : i32
        %dma_wait3A_147 = arith.constant 0 : i32
        %dma_wait3A_148 = tpu.memref_slice %arg9[%dma_wait3A_146, %dma_wait3A_147] : memref<10048x128xf32, #tpu.memory_space<vmem_shared>> -> memref<10048x128xf32, #tpu.memory_space<vmem_shared>>
        tpu.wait_indirect_dma semaphore(%run_scoped3A_128 : memref<!tpu.dma_semaphore, #tpu.memory_space<semaphore_mem>>) src(%dma_wait3A_142 : memref<88x128xf32, #tpu.memory_space<vmem>>) dst(%dma_wait3A_148 : memref<10048x128xf32, #tpu.memory_space<vmem_shared>>)
        tpu.yield
      }) : () -> ()
      %scan3A_127 = arith.constant 0 : i32
      scf.yield %scan3A_127 : i32
    }
    %scan3A_34 = arith.constant 57 : i32
    %dma_wait3A = arith.constant 0 : i32
    %dma_wait3A_35 = arith.constant 0 : i32
    %dma_wait3A_36 = arith.constant 0 : i32
    %dma_wait3A_37 = tpu.memref_slice %arg8[%dma_wait3A, %dma_wait3A_35, %dma_wait3A_36] : memref<2x88x128xf32, #tpu.memory_space<vmem>> -> memref<1x88x128xf32, #tpu.memory_space<vmem>>
    %dma_wait3A_38 = tpu.memref_squeeze %dma_wait3A_37 : memref<1x88x128xf32, #tpu.memory_space<vmem>> -> memref<88x128xf32, #tpu.memory_space<vmem>>
    %dma_wait3A_39 = arith.constant 0 : i32
    %dma_wait3A_40 = arith.constant 0 : i32
    %dma_wait3A_41 = tpu.memref_slice %arg5[%arg0, %dma_wait3A_39, %dma_wait3A_40] : memref<2x10048x128xf32, #tpu.memory_space<hbm>> -> memref<1x88x128xf32, #tpu.memory_space<hbm>>
    %dma_wait3A_42 = tpu.memref_squeeze %dma_wait3A_41 : memref<1x88x128xf32, #tpu.memory_space<hbm>> -> memref<88x128xf32, #tpu.memory_space<hbm>>
    %dma_wait3A_43 = arith.constant 0 : i32
    %dma_wait3A_44 = arith.constant 0 : i32
    %dma_wait3A_45 = tpu.memref_slice %arg8[%dma_wait3A, %dma_wait3A_43, %dma_wait3A_44] : memref<2x88x128xf32, #tpu.memory_space<vmem>> -> memref<1x88x128xf32, #tpu.memory_space<vmem>>
    %dma_wait3A_46 = tpu.memref_squeeze %dma_wait3A_45 : memref<1x88x128xf32, #tpu.memory_space<vmem>> -> memref<88x128xf32, #tpu.memory_space<vmem>>
    %dma_wait3A_47 = arith.constant 0 : i32
    %dma_wait3A_48 = arith.constant 0 : i32
    %dma_wait3A_49 = tpu.memref_slice %arg5[%arg0, %dma_wait3A_47, %dma_wait3A_48] : memref<2x10048x128xf32, #tpu.memory_space<hbm>> -> memref<1x88x128xf32, #tpu.memory_space<hbm>>
    %dma_wait3A_50 = tpu.memref_squeeze %dma_wait3A_49 : memref<1x88x128xf32, #tpu.memory_space<hbm>> -> memref<88x128xf32, #tpu.memory_space<hbm>>
    tpu.wait_dma2 semaphore(%arg10 : memref<!tpu.dma_semaphore, #tpu.memory_space<semaphore_mem>>) src(%dma_wait3A_50 : memref<88x128xf32, #tpu.memory_space<hbm>>) dst(%dma_wait3A_46 : memref<88x128xf32, #tpu.memory_space<vmem>>)
    %barrier3A_51 = arith.constant 0 : index
    tpu.barrier barrier_id(%barrier3A_51)
    %mul3A_52 = arith.constant 628 : i32
    %mul3A_53 = arith.muli %arg1, %mul3A_52 : i32
    %mul3A_54 = arith.constant 628 : i32
    %mul3A_55 = arith.muli %arg1, %mul3A_54 : i32
    "tpu.region"() ({
      %run_scoped3A_56 = tpu.sem_alloc : memref<!tpu.dma_semaphore, #tpu.memory_space<semaphore_mem>>
      %dma_start3A_57 = arith.constant 0 : i32
      %dma_start3A_58 = tpu.memref_slice %arg5[%arg0, %mul3A_55, %dma_start3A_57] : memref<2x10048x128xf32, #tpu.memory_space<hbm>> -> memref<1x628x128xf32, #tpu.memory_space<hbm>>
      %dma_start3A_59 = tpu.memref_squeeze %dma_start3A_58 : memref<1x628x128xf32, #tpu.memory_space<hbm>> -> memref<628x128xf32, #tpu.memory_space<hbm>>
      %dma_start3A_60 = arith.constant 0 : i32
      %dma_start3A_61 = tpu.memref_slice %arg9[%mul3A_53, %dma_start3A_60] : memref<10048x128xf32, #tpu.memory_space<vmem_shared>> -> memref<628x128xf32, #tpu.memory_space<vmem_shared>>
      tpu.enqueue_dma source(%dma_start3A_61 : memref<628x128xf32, #tpu.memory_space<vmem_shared>>) target(%dma_start3A_59 : memref<628x128xf32, #tpu.memory_space<hbm>>) target_semaphore(%run_scoped3A_56 : memref<!tpu.dma_semaphore, #tpu.memory_space<semaphore_mem>>)
      %dma_wait3A_62 = arith.constant 0 : i32
      %dma_wait3A_63 = tpu.memref_slice %arg5[%arg0, %mul3A_55, %dma_wait3A_62] : memref<2x10048x128xf32, #tpu.memory_space<hbm>> -> memref<1x628x128xf32, #tpu.memory_space<hbm>>
      %dma_wait3A_64 = tpu.memref_squeeze %dma_wait3A_63 : memref<1x628x128xf32, #tpu.memory_space<hbm>> -> memref<628x128xf32, #tpu.memory_space<hbm>>
      %dma_wait3A_65 = arith.constant 0 : i32
      %dma_wait3A_66 = tpu.memref_slice %arg9[%mul3A_53, %dma_wait3A_65] : memref<10048x128xf32, #tpu.memory_space<vmem_shared>> -> memref<628x128xf32, #tpu.memory_space<vmem_shared>>
      tpu.wait_dma2 semaphore(%run_scoped3A_56 : memref<!tpu.dma_semaphore, #tpu.memory_space<semaphore_mem>>) src(%dma_wait3A_66 : memref<628x128xf32, #tpu.memory_space<vmem_shared>>) dst(%dma_wait3A_64 : memref<628x128xf32, #tpu.memory_space<hbm>>)
      tpu.yield
    }) : () -> ()
    return
  }
}

#map = affine_map<(d0, d1) -> (0, 0)>
module attributes {stable_mosaic.version = 14 : i64} {
  func.func @_deg_body(%arg0: i32, %arg1: i32, %arg2: memref<32x10032xi32, #tpu.memory_space<hbm>>, %arg3: memref<32x10048xf32, #tpu.memory_space<hbm>>, %arg4: memref<10032xi32, #tpu.memory_space<vmem>>, %arg5: memref<10048xf32, #tpu.memory_space<vmem>>) attributes {dimension_semantics = [#tpu.dimension_semantics<core_parallel>, #tpu.dimension_semantics<subcore_parallel>], iteration_bounds = array<i64: 2, 16>, scalar_prefetch = 0 : i64, scratch_operands = 2 : i64, tpu.core_type = #tpu.core_type<sc_vector_subcore>, window_params = [{transform_indices = #map}, {transform_indices = #map}]} {
    %mul3A = arith.constant 16 : i32
    %mul3A_0 = arith.muli %arg0, %mul3A : i32
    %add3A = arith.addi %mul3A_0, %arg1 : i32
    %broadcast_in_dim3A = arith.constant 0.000000e+00 : f32
    %broadcast_in_dim3A_1 = vector.broadcast %broadcast_in_dim3A : f32 to vector<16xf32>
    %scan3A = arith.constant 0 : i32
    %scan3A_2 = arith.constant 0 : i32
    %scan3A_3 = arith.constant 628 : i32
    %scan3A_4 = arith.addi %scan3A_2, %scan3A_3 : i32
    %scan3A_5 = arith.constant 1 : i32
    %scan3A_6 = scf.for %scan3A_17 = %scan3A_2 to %scan3A_4 step %scan3A_5 iter_args(%scan3A_18 = %scan3A) -> (i32)  : i32 {
      %mul3A_19 = arith.constant 16 : i32
      %mul3A_20 = arith.muli %scan3A_17, %mul3A_19 : i32
      %swap3A = arith.index_cast %mul3A_20 : i32 to index
      %swap3A_21 = tpu.vector_load %arg5[%swap3A] {strides = array<i32>} : memref<10048xf32, #tpu.memory_space<vmem>>, vector<16xf32>,
      tpu.vector_store %arg5[%swap3A], %broadcast_in_dim3A_1 {strides = array<i32>} : memref<10048xf32, #tpu.memory_space<vmem>>, vector<16xf32>,
      %scan3A_22 = arith.constant 0 : i32
      scf.yield %scan3A_22 : i32
    }
    %scan3A_7 = arith.constant 628 : i32
    "tpu.region"() ({
      %run_scoped3A = tpu.sem_alloc : memref<!tpu.dma_semaphore, #tpu.memory_space<semaphore_mem>>
      %dma_start3A = arith.constant 0 : i32
      %dma_start3A_17 = tpu.memref_slice %arg2[%add3A, %dma_start3A] : memref<32x10032xi32, #tpu.memory_space<hbm>> -> memref<1x10032xi32, #tpu.memory_space<hbm>>
      %dma_start3A_18 = tpu.memref_squeeze %dma_start3A_17 : memref<1x10032xi32, #tpu.memory_space<hbm>> -> memref<10032xi32, #tpu.memory_space<hbm>>
      %dma_start3A_19 = arith.constant 0 : i32
      %dma_start3A_20 = tpu.memref_slice %arg2[%add3A, %dma_start3A_19] : memref<32x10032xi32, #tpu.memory_space<hbm>> -> memref<1x10032xi32, #tpu.memory_space<hbm>>
      %dma_start3A_21 = tpu.memref_squeeze %dma_start3A_20 : memref<1x10032xi32, #tpu.memory_space<hbm>> -> memref<10032xi32, #tpu.memory_space<hbm>>
      tpu.enqueue_dma source(%dma_start3A_21 : memref<10032xi32, #tpu.memory_space<hbm>>) target(%arg4 : memref<10032xi32, #tpu.memory_space<vmem>>) target_semaphore(%run_scoped3A : memref<!tpu.dma_semaphore, #tpu.memory_space<semaphore_mem>>)
      %dma_wait3A = arith.constant 0 : i32
      %dma_wait3A_22 = tpu.memref_slice %arg2[%add3A, %dma_wait3A] : memref<32x10032xi32, #tpu.memory_space<hbm>> -> memref<1x10032xi32, #tpu.memory_space<hbm>>
      %dma_wait3A_23 = tpu.memref_squeeze %dma_wait3A_22 : memref<1x10032xi32, #tpu.memory_space<hbm>> -> memref<10032xi32, #tpu.memory_space<hbm>>
      %dma_wait3A_24 = arith.constant 0 : i32
      %dma_wait3A_25 = tpu.memref_slice %arg2[%add3A, %dma_wait3A_24] : memref<32x10032xi32, #tpu.memory_space<hbm>> -> memref<1x10032xi32, #tpu.memory_space<hbm>>
      %dma_wait3A_26 = tpu.memref_squeeze %dma_wait3A_25 : memref<1x10032xi32, #tpu.memory_space<hbm>> -> memref<10032xi32, #tpu.memory_space<hbm>>
      tpu.wait_dma2 semaphore(%run_scoped3A : memref<!tpu.dma_semaphore, #tpu.memory_space<semaphore_mem>>) src(%dma_wait3A_26 : memref<10032xi32, #tpu.memory_space<hbm>>) dst(%arg4 : memref<10032xi32, #tpu.memory_space<vmem>>)
      tpu.yield
    }) : () -> ()
    %broadcast_in_dim3A_8 = arith.constant 1.000000e+00 : f32
    %broadcast_in_dim3A_9 = vector.broadcast %broadcast_in_dim3A_8 : f32 to vector<16xf32>
    %scan3A_10 = arith.constant 0 : i32
    %scan3A_11 = arith.constant 0 : i32
    %scan3A_12 = arith.constant 627 : i32
    %scan3A_13 = arith.addi %scan3A_11, %scan3A_12 : i32
    %scan3A_14 = arith.constant 1 : i32
    %scan3A_15 = scf.for %scan3A_17 = %scan3A_11 to %scan3A_13 step %scan3A_14 iter_args(%scan3A_18 = %scan3A_10) -> (i32)  : i32 {
      %mul3A_19 = arith.constant 16 : i32
      %mul3A_20 = arith.muli %scan3A_17, %mul3A_19 : i32
      %get3A = arith.index_cast %mul3A_20 : i32 to index
      %get3A_21 = tpu.vector_load %arg4[%get3A] {strides = array<i32>} : memref<10032xi32, #tpu.memory_space<vmem>>, vector<16xi32>,
      tpu.vector_store_idx %arg5[%get3A_21], %broadcast_in_dim3A_9 {add = true} : memref<10048xf32, #tpu.memory_space<vmem>>[vector<16xi32>], vector<16xf32>,
      %scan3A_22 = arith.constant 0 : i32
      scf.yield %scan3A_22 : i32
    }
    %scan3A_16 = arith.constant 627 : i32
    "tpu.region"() ({
      %run_scoped3A = tpu.sem_alloc : memref<!tpu.dma_semaphore, #tpu.memory_space<semaphore_mem>>
      %dma_start3A = arith.constant 0 : i32
      %dma_start3A_17 = tpu.memref_slice %arg3[%add3A, %dma_start3A] : memref<32x10048xf32, #tpu.memory_space<hbm>> -> memref<1x10048xf32, #tpu.memory_space<hbm>>
      %dma_start3A_18 = tpu.memref_squeeze %dma_start3A_17 : memref<1x10048xf32, #tpu.memory_space<hbm>> -> memref<10048xf32, #tpu.memory_space<hbm>>
      %dma_start3A_19 = arith.constant 0 : i32
      %dma_start3A_20 = tpu.memref_slice %arg3[%add3A, %dma_start3A_19] : memref<32x10048xf32, #tpu.memory_space<hbm>> -> memref<1x10048xf32, #tpu.memory_space<hbm>>
      %dma_start3A_21 = tpu.memref_squeeze %dma_start3A_20 : memref<1x10048xf32, #tpu.memory_space<hbm>> -> memref<10048xf32, #tpu.memory_space<hbm>>
      tpu.enqueue_dma source(%arg5 : memref<10048xf32, #tpu.memory_space<vmem>>) target(%dma_start3A_21 : memref<10048xf32, #tpu.memory_space<hbm>>) target_semaphore(%run_scoped3A : memref<!tpu.dma_semaphore, #tpu.memory_space<semaphore_mem>>)
      %dma_wait3A = arith.constant 0 : i32
      %dma_wait3A_22 = tpu.memref_slice %arg3[%add3A, %dma_wait3A] : memref<32x10048xf32, #tpu.memory_space<hbm>> -> memref<1x10048xf32, #tpu.memory_space<hbm>>
      %dma_wait3A_23 = tpu.memref_squeeze %dma_wait3A_22 : memref<1x10048xf32, #tpu.memory_space<hbm>> -> memref<10048xf32, #tpu.memory_space<hbm>>
      %dma_wait3A_24 = arith.constant 0 : i32
      %dma_wait3A_25 = tpu.memref_slice %arg3[%add3A, %dma_wait3A_24] : memref<32x10048xf32, #tpu.memory_space<hbm>> -> memref<1x10048xf32, #tpu.memory_space<hbm>>
      %dma_wait3A_26 = tpu.memref_squeeze %dma_wait3A_25 : memref<1x10048xf32, #tpu.memory_space<hbm>> -> memref<10048xf32, #tpu.memory_space<hbm>>
      tpu.wait_dma2 semaphore(%run_scoped3A : memref<!tpu.dma_semaphore, #tpu.memory_space<semaphore_mem>>) src(%arg5 : memref<10048xf32, #tpu.memory_space<vmem>>) dst(%dma_wait3A_26 : memref<10048xf32, #tpu.memory_space<hbm>>)
      tpu.yield
    }) : () -> ()
    return
  }
}

module attributes {stable_mosaic.version = 14 : i64} {
  func.func @_tc_in_body(%arg0: memref<10048x128xf32, #tpu.memory_space<vmem>>, %arg1: memref<128x128xf32, #tpu.memory_space<vmem>>, %arg2: memref<32x10048xf32, #tpu.memory_space<vmem>>, %arg3: memref<10048x128xf32, #tpu.memory_space<vmem>>) attributes {dimension_semantics = [], scalar_prefetch = 0 : i64, scratch_operands = 0 : i64, tpu.core_type = #tpu.core_type<tc>} {
    %get3A = arith.constant 0 : index
    %get3A_0 = arith.constant 0 : index
    %get3A_1 = vector.load %arg0[%get3A, %get3A_0] : memref<10048x128xf32, #tpu.memory_space<vmem>>, vector<10048x128xf32>
    %get3A_2 = arith.constant 0 : index
    %get3A_3 = arith.constant 0 : index
    %get3A_4 = vector.load %arg1[%get3A_2, %get3A_3] : memref<128x128xf32, #tpu.memory_space<vmem>>, vector<128x128xf32>
    %dot_general3A = arith.constant dense<0.000000e+00> : vector<10048x128xf32>
    %dot_general3A_5 = tpu.matmul %get3A_1, %get3A_4, %dot_general3A {dimension_numbers = #tpu.dot_dimension_numbers<[1], [0], [0], [1], [0, 0, 1, 1], [], []>, transpose_lhs_hint = false} : vector<10048x128xf32>, vector<128x128xf32>, vector<10048x128xf32> -> vector<10048x128xf32>
    %get3A_6 = arith.constant 0 : index
    %get3A_7 = arith.constant 0 : index
    %get3A_8 = vector.load %arg2[%get3A_6, %get3A_7] : memref<32x10048xf32, #tpu.memory_space<vmem>>, vector<32x10048xf32>
    %reduce_sum3A = arith.constant dense<0.000000e+00> : vector<10048xf32>
    %reduce_sum3A_9 = vector.multi_reduction <add>, %get3A_8, %reduce_sum3A [0] : vector<32x10048xf32> to vector<10048xf32>
    %add3A = arith.constant 1.000000e+00 : f32
    %add3A_10 = vector.broadcast %add3A : f32 to vector<10048xf32>
    %add3A_11 = arith.addf %reduce_sum3A_9, %add3A_10 : vector<10048xf32>
    %rsqrt3A = math.rsqrt %add3A_11 : vector<10048xf32>
    %broadcast_in_dim3A = vector.shape_cast %rsqrt3A : vector<10048xf32> to vector<10048x1xf32>
    %mul3A = vector.broadcast %broadcast_in_dim3A : vector<10048x1xf32> to vector<10048x128xf32>
    %mul3A_12 = arith.mulf %dot_general3A_5, %mul3A : vector<10048x128xf32>
    %swap3A = arith.constant 0 : index
    %swap3A_13 = arith.constant 0 : index
    %swap3A_14 = vector.load %arg3[%swap3A, %swap3A_13] : memref<10048x128xf32, #tpu.memory_space<vmem>>, vector<10048x128xf32>
    tpu.vector_store %arg3[%swap3A, %swap3A_13], %mul3A_12 {strides = array<i32>} : memref<10048x128xf32, #tpu.memory_space<vmem>>, vector<10048x128xf32>,
    return
  }
}

module attributes {stable_mosaic.version = 14 : i64} {
  func.func @_tc_mid_body(%arg0: memref<32x10048xf32, #tpu.memory_space<vmem>>, %arg1: memref<2x10048x128xf32, #tpu.memory_space<vmem>>, %arg2: memref<2x10048x128xf32, #tpu.memory_space<vmem>>, %arg3: memref<10048x128xf32, #tpu.memory_space<vmem>>, %arg4: memref<1x128xf32, #tpu.memory_space<vmem>>, %arg5: memref<128x128xf32, #tpu.memory_space<vmem>>, %arg6: memref<10048x128xf32, #tpu.memory_space<vmem>>) attributes {dimension_semantics = [], scalar_prefetch = 0 : i64, scratch_operands = 0 : i64, tpu.core_type = #tpu.core_type<tc>} {
    %get3A = arith.constant 0 : index
    %get3A_0 = arith.constant 0 : index
    %get3A_1 = vector.load %arg0[%get3A, %get3A_0] : memref<32x10048xf32, #tpu.memory_space<vmem>>, vector<32x10048xf32>
    %reduce_sum3A = arith.constant dense<0.000000e+00> : vector<10048xf32>
    %reduce_sum3A_2 = vector.multi_reduction <add>, %get3A_1, %reduce_sum3A [0] : vector<32x10048xf32> to vector<10048xf32>
    %add3A = arith.constant 1.000000e+00 : f32
    %add3A_3 = vector.broadcast %add3A : f32 to vector<10048xf32>
    %add3A_4 = arith.addf %reduce_sum3A_2, %add3A_3 : vector<10048xf32>
    %rsqrt3A = math.rsqrt %add3A_4 : vector<10048xf32>
    %broadcast_in_dim3A = vector.shape_cast %rsqrt3A : vector<10048xf32> to vector<10048x1xf32>
    %get3A_5 = arith.constant 0 : index
    %get3A_6 = arith.constant 0 : index
    %get3A_7 = arith.constant 0 : index
    %get3A_8 = vector.load %arg1[%get3A_5, %get3A_6, %get3A_7] : memref<2x10048x128xf32, #tpu.memory_space<vmem>>, vector<1x10048x128xf32>
    %get3A_9 = vector.shape_cast %get3A_8 : vector<1x10048x128xf32> to vector<10048x128xf32>
    %get3A_10 = arith.constant 1 : index
    %get3A_11 = arith.constant 0 : index
    %get3A_12 = arith.constant 0 : index
    %get3A_13 = vector.load %arg1[%get3A_10, %get3A_11, %get3A_12] : memref<2x10048x128xf32, #tpu.memory_space<vmem>>, vector<1x10048x128xf32>
    %get3A_14 = vector.shape_cast %get3A_13 : vector<1x10048x128xf32> to vector<10048x128xf32>
    %add3A_15 = arith.addf %get3A_9, %get3A_14 : vector<10048x128xf32>
    %get3A_16 = arith.constant 0 : index
    %get3A_17 = arith.constant 0 : index
    %get3A_18 = vector.load %arg3[%get3A_16, %get3A_17] : memref<10048x128xf32, #tpu.memory_space<vmem>>, vector<10048x128xf32>
    %add3A_19 = arith.addf %add3A_15, %get3A_18 : vector<10048x128xf32>
    %mul3A = vector.broadcast %broadcast_in_dim3A : vector<10048x1xf32> to vector<10048x128xf32>
    %mul3A_20 = arith.mulf %add3A_19, %mul3A : vector<10048x128xf32>
    %get3A_21 = arith.constant 0 : index
    %get3A_22 = arith.constant 0 : index
    %get3A_23 = vector.load %arg4[%get3A_21, %get3A_22] : memref<1x128xf32, #tpu.memory_space<vmem>>, vector<1x128xf32>
    %add3A_24 = vector.broadcast %get3A_23 : vector<1x128xf32> to vector<10048x128xf32>
    %add3A_25 = arith.addf %mul3A_20, %add3A_24 : vector<10048x128xf32>
    %max3A = arith.constant 0.000000e+00 : f32
    %max3A_26 = vector.broadcast %max3A : f32 to vector<10048x128xf32>
    %max3A_27 = arith.maximumf %add3A_25, %max3A_26 : vector<10048x128xf32>
    %get3A_28 = arith.constant 0 : index
    %get3A_29 = arith.constant 0 : index
    %get3A_30 = vector.load %arg5[%get3A_28, %get3A_29] : memref<128x128xf32, #tpu.memory_space<vmem>>, vector<128x128xf32>
    %dot_general3A = arith.constant dense<0.000000e+00> : vector<10048x128xf32>
    %dot_general3A_31 = tpu.matmul %max3A_27, %get3A_30, %dot_general3A {dimension_numbers = #tpu.dot_dimension_numbers<[1], [0], [0], [1], [0, 0, 1, 1], [], []>, transpose_lhs_hint = false} : vector<10048x128xf32>, vector<128x128xf32>, vector<10048x128xf32> -> vector<10048x128xf32>
    %mul3A_32 = vector.broadcast %broadcast_in_dim3A : vector<10048x1xf32> to vector<10048x128xf32>
    %mul3A_33 = arith.mulf %dot_general3A_31, %mul3A_32 : vector<10048x128xf32>
    %swap3A = arith.constant 0 : index
    %swap3A_34 = arith.constant 0 : index
    %swap3A_35 = vector.load %arg6[%swap3A, %swap3A_34] : memref<10048x128xf32, #tpu.memory_space<vmem>>, vector<10048x128xf32>
    tpu.vector_store %arg6[%swap3A, %swap3A_34], %mul3A_33 {strides = array<i32>} : memref<10048x128xf32, #tpu.memory_space<vmem>>, vector<10048x128xf32>,
    return
  }
}

module attributes {stable_mosaic.version = 14 : i64} {
  func.func @_tc_out_body(%arg0: memref<32x10048xf32, #tpu.memory_space<vmem>>, %arg1: memref<2x10048x128xf32, #tpu.memory_space<vmem>>, %arg2: memref<2x10048x128xf32, #tpu.memory_space<vmem>>, %arg3: memref<10048x128xf32, #tpu.memory_space<vmem>>, %arg4: memref<1x128xf32, #tpu.memory_space<vmem>>, %arg5: memref<10048x128xf32, #tpu.memory_space<vmem>>) attributes {dimension_semantics = [], scalar_prefetch = 0 : i64, scratch_operands = 0 : i64, tpu.core_type = #tpu.core_type<tc>} {
    %get3A = arith.constant 0 : index
    %get3A_0 = arith.constant 0 : index
    %get3A_1 = vector.load %arg0[%get3A, %get3A_0] : memref<32x10048xf32, #tpu.memory_space<vmem>>, vector<32x10048xf32>
    %reduce_sum3A = arith.constant dense<0.000000e+00> : vector<10048xf32>
    %reduce_sum3A_2 = vector.multi_reduction <add>, %get3A_1, %reduce_sum3A [0] : vector<32x10048xf32> to vector<10048xf32>
    %add3A = arith.constant 1.000000e+00 : f32
    %add3A_3 = vector.broadcast %add3A : f32 to vector<10048xf32>
    %add3A_4 = arith.addf %reduce_sum3A_2, %add3A_3 : vector<10048xf32>
    %rsqrt3A = math.rsqrt %add3A_4 : vector<10048xf32>
    %broadcast_in_dim3A = vector.shape_cast %rsqrt3A : vector<10048xf32> to vector<10048x1xf32>
    %get3A_5 = arith.constant 0 : index
    %get3A_6 = arith.constant 0 : index
    %get3A_7 = arith.constant 0 : index
    %get3A_8 = vector.load %arg1[%get3A_5, %get3A_6, %get3A_7] : memref<2x10048x128xf32, #tpu.memory_space<vmem>>, vector<1x10048x128xf32>
    %get3A_9 = vector.shape_cast %get3A_8 : vector<1x10048x128xf32> to vector<10048x128xf32>
    %get3A_10 = arith.constant 1 : index
    %get3A_11 = arith.constant 0 : index
    %get3A_12 = arith.constant 0 : index
    %get3A_13 = vector.load %arg1[%get3A_10, %get3A_11, %get3A_12] : memref<2x10048x128xf32, #tpu.memory_space<vmem>>, vector<1x10048x128xf32>
    %get3A_14 = vector.shape_cast %get3A_13 : vector<1x10048x128xf32> to vector<10048x128xf32>
    %add3A_15 = arith.addf %get3A_9, %get3A_14 : vector<10048x128xf32>
    %get3A_16 = arith.constant 0 : index
    %get3A_17 = arith.constant 0 : index
    %get3A_18 = vector.load %arg3[%get3A_16, %get3A_17] : memref<10048x128xf32, #tpu.memory_space<vmem>>, vector<10048x128xf32>
    %add3A_19 = arith.addf %add3A_15, %get3A_18 : vector<10048x128xf32>
    %mul3A = vector.broadcast %broadcast_in_dim3A : vector<10048x1xf32> to vector<10048x128xf32>
    %mul3A_20 = arith.mulf %add3A_19, %mul3A : vector<10048x128xf32>
    %get3A_21 = arith.constant 0 : index
    %get3A_22 = arith.constant 0 : index
    %get3A_23 = vector.load %arg4[%get3A_21, %get3A_22] : memref<1x128xf32, #tpu.memory_space<vmem>>, vector<1x128xf32>
    %add3A_24 = vector.broadcast %get3A_23 : vector<1x128xf32> to vector<10048x128xf32>
    %add3A_25 = arith.addf %mul3A_20, %add3A_24 : vector<10048x128xf32>
    %reduce_max3A = arith.constant dense<0xFF800000> : vector<10048xf32>
    %reduce_max3A_26 = vector.multi_reduction <maximumf>, %add3A_25, %reduce_max3A [1] : vector<10048x128xf32> to vector<10048xf32>
    %broadcast_in_dim3A_27 = vector.shape_cast %reduce_max3A_26 : vector<10048xf32> to vector<10048x1xf32>
    %sub3A = vector.broadcast %broadcast_in_dim3A_27 : vector<10048x1xf32> to vector<10048x128xf32>
    %sub3A_28 = arith.subf %add3A_25, %sub3A : vector<10048x128xf32>
    %exp3A = math.exp %sub3A_28 : vector<10048x128xf32>
    %sub3A_29 = vector.broadcast %broadcast_in_dim3A_27 : vector<10048x1xf32> to vector<10048x128xf32>
    %sub3A_30 = arith.subf %add3A_25, %sub3A_29 : vector<10048x128xf32>
    %reduce_sum3A_31 = arith.constant dense<0.000000e+00> : vector<10048xf32>
    %reduce_sum3A_32 = vector.multi_reduction <add>, %exp3A, %reduce_sum3A_31 [1] : vector<10048x128xf32> to vector<10048xf32>
    %broadcast_in_dim3A_33 = vector.shape_cast %reduce_sum3A_32 : vector<10048xf32> to vector<10048x1xf32>
    %log3A = math.log %broadcast_in_dim3A_33 : vector<10048x1xf32>
    %sub3A_34 = vector.broadcast %log3A : vector<10048x1xf32> to vector<10048x128xf32>
    %sub3A_35 = arith.subf %sub3A_30, %sub3A_34 : vector<10048x128xf32>
    %swap3A = arith.constant 0 : index
    %swap3A_36 = arith.constant 0 : index
    %swap3A_37 = vector.load %arg5[%swap3A, %swap3A_36] : memref<10048x128xf32, #tpu.memory_space<vmem>>, vector<10048x128xf32>
    tpu.vector_store %arg5[%swap3A, %swap3A_36], %sub3A_35 {strides = array<i32>} : memref<10048x128xf32, #tpu.memory_space<vmem>>, vector<10048x128xf32>,
    return
  }
}

</mosaic_0001>

<sc_bundles>
// kernel: kernel.11.cloned.1.call-start
scs
__scs_entry_jumppad:
0x0: {  	(pc) =	sbr.rel $0x88, $3  }
0x1: {  	(tag) =	ssettag $0x0;
	lr =	simm.s32 $0x1  }
0x2: {  	[smem:$0x3F9B] =	sst lr;
	_ =	strace $0xD0000000  }
0x3: {  	_ = 	snop  }
0x4: {  	_ = 	snop  }
0x5: {  	_ = 	snop  }
0x6: {  	_ = 	snop  }
0x7: {  	_ = 	snop  }
__scs_overlays_trampoline_lowered:
0x8: {  	[smem:$0x3FAA] =	sst s0  }
0x9: {  	[smem:$0x3FAB] =	sst s1  }
0xa: {  	[smem:$0x3FAC] =	sst s2  }
0xb: {  	[smem:$0x3FAD] =	sst s3  }
0xc: {  	[smem:$0x3FAE] =	sst s4  }
0xd: {  	[smem:$0x3FAF] =	sst s5  }
0xe: {  	[smem:$0x3FB0] =	sst s6  }
0xf: {  	[smem:$0x3FB1] =	sst s7  }
0x10: {  	[smem:$0x3FB2] =	sst s8  }
0x11: {  	[smem:$0x3FB3] =	sst s9;
	s0 =	simm.s32 @!p0 $0x0  }
0x12: {  	s1 =	sld [smem:$0x3F99];
	s0 =	simm.s32 @p0 $0x1  }
0x13: {  	[smem:$0x3FB4] =	sst s0;
	s0 =	simm.s32 @!p1 $0x0  }
0x14: {  	s2 =	sld [smem:$0x3F98];
	s0 =	simm.s32 @p1 $0x1  }
0x15: {  	[smem:$0x3FB5] =	sst s0;
	s0 =	simm.s32 @!p2 $0x0  }
0x16: {  	s3 =	sld [smem:$0x3FDB];
	s0 =	simm.s32 @p2 $0x1  }
0x17: {  	s4 =	simm.s32 $0x1BF5;
	[smem:$0x3FB7] =	sst s0  }
0x18: {  	s0 =	sld [smem:$0x3F9A];
	_ =	swait.ge [sflag:s4], $0x0  }
0x19: {  	s7 =	sld [smem:$0x3F9B]  }
0x1a: {  	s8 =	sadd.s32 $0xFFFFE003, lr  }
0x1b: {  	s9 =	sadd.s32 $0xFFFFFEF7, lr;
	s5 =	simm.s32 $0xFFFFFFFF;
	p2 =	slt.u32 s8, $0xFFFFF086  }
0x1c: {  	p1 =	slt.u32 s9, $0xF7A;
	s5 =	simm.s32 @!p2 $0x0  }
0x1d: {  	s5 =	simm.s32 @p1 $0x1;
	p0 =	seq.s32 s7, s2  }
0x1e: {  	s7 =	smul.u32 @!p0 $0xF7A, s2;
	p2 =	seq.s32 @!p0 s5, $0x0  }
0x1f: {  	s9 =	smul.u32 $0xF7A, s1;
	s8 =	simm.s32 @!p0 $0x1BF5;
	p2 =	por !p2, p0  }
0x20: {  	[sflag:s8] =	ssyncset.s32 @!p0 $0xFFFFF086;
	s6 =	sadd.s32 @!p0 s3, s7;
	s7 =	simm.s32 @!p0 $0x108  }
0x21: {  	s3 =	sadd.s32 s3, s9;
	s6 =	sadd.s32 @!p0 $0x88, s6;
	s7 =	simm.s32 @p2 $0x1082  }
0x22: {  	[simem:s7], [sflag:s8] =	dma.local @!p0 [hbm:s6], $0xF7A  }
0x23: {  	s9 =	sor.u32 $0xD0000000, s2;
	s6 =	simm.s32 $0x108;
	_ =	swait.ge @!p0 [sflag:s8], $0x0  }
0x24: {  	s3 =	sadd.s32 $0x88, s3;
	s6 =	simm.s32 @!p1 $0x1082;
	[sflag:s4] =	ssyncset.s32 $0xFFFFF086  }
0x25: {  	[simem:s6], [sflag:s4] =	dma.local [hbm:s3], $0xF7A  }
0x26: {  	[smem:$0x3F9B] =	sst s1;
	(tag) =	ssettag s2;
	_ =	strace s9  }
0x27: {  	s1 =	sld [smem:$0x3FAB]  }
0x28: {  	s2 =	sld [smem:$0x3FAC]  }
0x29: {  	s4 =	sld [smem:$0x3FAE]  }
0x2a: {  	p0 =	seq.s32 s5, $0x0;
	s5 =	sld [smem:$0x3FAF]  }
0x2b: {  	s6 =	sld [smem:$0x3FB0]  }
0x2c: {  	s7 =	sld [smem:$0x3FB1]  }
0x2d: {  	s3 =	simm.s32 $0x108;
	s8 =	sld [smem:$0x3FB2]  }
0x2e: {  	s3 =	simm.s32 @!p0 $0x1082;
	s9 =	sld [smem:$0x3FB3]  }
0x2f: {  	lr =	sadd.s32 s0, s3;
	s0 =	sld [smem:$0x3FAA]  }
0x30: {  	s3 =	sld [smem:$0x3FAD]  }
0x31: {  	[smem:$0x3FB6] =	sst s10  }
0x32: {  	s10 =	sld [smem:$0x3FB4];
	_ =	sdelay $0x3  }
0x33: {  	p0 =	seq.s32 s10, $0x1;
	s10 =	sld [smem:$0x3FB6];
	_ =	sdelay $0x3  }
0x34: {  	[smem:$0x3FB6] =	sst s10  }
0x35: {  	s10 =	sld [smem:$0x3FB5];
	_ =	sdelay $0x3  }
0x36: {  	p1 =	seq.s32 s10, $0x1;
	s10 =	sld [smem:$0x3FB6];
	_ =	sdelay $0x3  }
0x37: {  	[smem:$0x3FB6] =	sst s10  }
0x38: {  	s10 =	sld [smem:$0x3FB7]  }
0x39: {  	_ = 	snop;
	(pc) =	sbr.ind lr, $3  }
0x3a: {  	_ = 	snop  }
0x3b: {  	_ = 	snop  }
0x3c: {  	p2 =	seq.s32 s10, $0x1;
	s10 =	sld [smem:$0x3FB6]  }
0x3d: {  	_ =	shalt  }
0x3e: {  	_ =	shalt  }
0x3f: {  	_ =	shalt  }
0x40: {  	_ =	shalt  }
0x41: {  	_ =	shalt  }
0x42: {  	_ =	shalt  }
0x43: {  	_ =	shalt  }
0x44: {  	_ =	shalt  }
0x45: {  	_ =	shalt  }
0x46: {  	_ =	shalt  }
0x47: {  	_ =	shalt  }
0x48: {  	_ =	shalt  }
0x49: {  	_ =	shalt  }
0x4a: {  	_ =	shalt  }
0x4b: {  	_ =	shalt  }
0x4c: {  	_ =	shalt  }
0x4d: {  	_ =	shalt  }
0x4e: {  	_ =	shalt  }
0x4f: {  	_ =	shalt  }
0x50: {  	_ =	shalt  }
0x51: {  	_ =	shalt  }
0x52: {  	_ =	shalt  }
0x53: {  	_ =	shalt  }
0x54: {  	_ =	shalt  }
0x55: {  	_ =	shalt  }
0x56: {  	_ =	shalt  }
0x57: {  	_ =	shalt  }
0x58: {  	_ =	shalt  }
0x59: {  	_ =	shalt  }
0x5a: {  	_ =	shalt  }
0x5b: {  	_ =	shalt  }
0x5c: {  	_ =	shalt  }
0x5d: {  	_ =	shalt  }
0x5e: {  	_ =	shalt  }
0x5f: {  	_ =	shalt  }
0x60: {  	_ =	shalt  }
0x61: {  	_ =	shalt  }
0x62: {  	_ =	shalt  }
0x63: {  	_ =	shalt  }
0x64: {  	_ =	shalt  }
0x65: {  	_ =	shalt  }
0x66: {  	_ =	shalt  }
0x67: {  	_ =	shalt  }
0x68: {  	_ =	shalt  }
0x69: {  	_ =	shalt  }
0x6a: {  	_ =	shalt  }
0x6b: {  	_ =	shalt  }
0x6c: {  	_ =	shalt  }
0x6d: {  	_ =	shalt  }
0x6e: {  	_ =	shalt  }
0x6f: {  	_ =	shalt  }
0x70: {  	_ =	shalt  }
0x71: {  	_ =	shalt  }
0x72: {  	_ =	shalt  }
0x73: {  	_ =	shalt  }
0x74: {  	_ =	shalt  }
0x75: {  	_ =	shalt  }
0x76: {  	_ =	shalt  }
0x77: {  	_ =	shalt  }
0x78: {  	_ =	shalt  }
0x79: {  	_ =	shalt  }
0x7a: {  	_ =	shalt  }
0x7b: {  	_ =	shalt  }
0x7c: {  	_ =	shalt  }
0x7d: {  	_ =	shalt  }
0x7e: {  	_ =	shalt  }
0x7f: {  	_ =	shalt  }
0x80: {  	_ =	shalt  }
0x81: {  	_ =	shalt  }
0x82: {  	_ =	shalt  }
0x83: {  	_ =	shalt  }
0x84: {  	_ =	shalt  }
0x85: {  	_ =	shalt  }
0x86: {  	_ =	shalt  }
0x87: {  	_ =	shalt  }
.Lfunc_end0:
.L_simem_size_0:
called_computation.1_lowered:
.L_overlay_start_0:
0x88: {  	s2 =	sld [smem:$0x3FD9]  }
0x89: {  	s3 =	sld [smem:$0x3FFE];
	_ =	sdelay $0x1  }
0x8a: {  	s1 =	srdreg.scid  }
0x8b: {  	s0 =	sand.u32 $0x1, s1  }
0x8c: {  	s16 =	sshll.u32 s0, $0xA;
	s2 =	sadd.s32 s3, s2  }
0x8d: {  	s2 =	sadd.s32 s2, s16  }
0x8e: {  	[smem:$0x3FC2] =	sst s2  }
0x8f: {  	_ = 	snop  }
0x90: {  	(tm) =	ssettm $0x1  }
0x91: {  	s17 =	sld [smem:$0x3FFB];
	_ =	sdelay $0x3  }
0x92: {  	_ =	strace s17  }
0x93: {  	s2 =	sld [smem:$0x3FFC];
	_ =	sdelay $0x3  }
0x94: {  	_ =	strace s2  }
0x95: {  	s2 =	sld [smem:$0x3FFD];
	_ =	sdelay $0x3  }
0x96: {  	_ =	strace s2  }
0x97: {  	_ =	strace $0x8FFFFFFF  }
0x98: {  	s18 =	sld [smem:$0x3FDB];
	_ =	sdelay $0x1  }
0x99: {  	s19 =	simm.s32 $_scs_section_size  }
0x9a: {  	s4 =	simm.s32 $_size__tile_overlayer_lowered;
	s5 =	simm.s32 $_tile_overlayer_lowered  }
0x9b: {  	s22 =	simm.s32 $0x1BFF;
	s21 =	sshll.u32 s5, $0x1;
	s2 =	sadd.s32 s19, s18  }
0x9c: {  	s6 =	simm.s32 $0x0;
	s20 =	sshll.u32 s4, $0x1;
	s4 =	sadd.s32 s21, s2  }
0x9d: {  	[timem:s6], [sflag:s22] =	dma.local [hbm:s4], s20  }
0x9e: {  	_ =	swait.ge [sflag:s22], s20  }
0x9f: {  	s3 =	ssub.s32 $0x0, s20;
	[sflag:s22] =	ssyncset.done $0x0  }
0xa0: {  	[sflag:s22] =	ssyncadd.s32 s3;
	_ =	sdelay $0x1  }
0xa1: {  	s23 =	simm.s32 $0x1B8B  }
0xa2: {  	_ =	swait.ge [sflag:s23], $0x1  }
0xa3: {  	[sflag:s23] =	ssyncset.done $0x0  }
0xa4: {  	s25 =	simm.s32 $0x1B8E;
	s24 =	sld [smem:$0x3FFE];
	[sflag:s23] =	ssyncadd.s32 $0xFFFFFFFF  }
0xa5: {  	s26 =	simm.s32 $execute0_lowered;
	[smem:$0x3FD2] =	sst s25  }
0xa6: {  	s4 =	sshll.u32 s26, $0x1;
	_ =	strace $0x80000049;
	[dreg:$0x1] =	wrdreg $0xFFFFFFFF  }
0xa7: {  	s28 =	simm.s32 $_size_execute0_lowered;
	s2 =	sadd.s32 s2, s4;
	[dreg:$0x0] =	wrdreg $0x0  }
0xa8: {  	s4 =	sshll.u32 s28, $0x1;
	[dreg:$0x2] =	wrdreg s2  }
0xa9: {  	[dreg:$0x3] =	wrdreg s4  }
0xaa: {  	[dreg:$0x4] =	wrdreg $0xC0  }
0xab: {  	_ =	task [dreg:s6], $0x5FFFF  }
0xac: {  	[dreg:$0x1] =	wrdreg $0xFFFFFFFF  }
0xad: {  	[dreg:$0x0] =	wrdreg $0x60  }
0xae: {  	[dreg:$0x2] =	wrdreg s24  }
0xaf: {  	[dreg:$0x3] =	wrdreg $0xA6600  }
0xb0: {  	[dreg:$0x4] =	wrdreg $0x9  }
0xb1: {  	_ =	task.clear_ibuf [dreg:s6], $0x5FFFF;
	_ =	strace $0x90000049  }
0xb2: {  	s29 =	simm.s32 $0x9;
	_ =	strace $0x8000004B  }
0xb3: {  	_ =	swait.ge [sflag:s29], $0x1  }
0xb4: {  	[sflag:s29] =	ssyncadd.s32 $0xFFFFFFFF  }
0xb5: {  	_ =	strace $0x9000004B  }
0xb6: {  	_ =	sfence  }
0xb7: {  	s30 =	sld [smem:$0x0];
	_ =	sdelay $0x2  }
0xb8: {  	s31 =	sshll.u32 s1, $0xD;
	s1 =	sshrl.u32 s1, $0x2  }
0xb9: {  	s3 =	sand.u32 $0x4000, s31;
	s1 =	sadd.s32 s1, s30  }
0xba: {  	s0 =	sor.u32 s3, s0;
	s1 =	sshll.u32 s1, $0x11  }
0xbb: {  	s0 =	sor.u32 s1, s0  }
0xbc: {  	s0 =	sadd.s32 $0x8F2B, s0  }
0xbd: {  	[sflag:s0] =	ssyncadd.remote.s32 $0x1  }
0xbe: {  	_ =	sfence.sel $0xFFFF  }
0xbf: {  	[dreg:$0x0] =	wrdreg $0xFFFFFFFF;
	(pc) =	sbr.abs _section_cstart, $3  }
0xc0: {  	[dreg:$0x1] =	wrdreg $0xFFFFFFFF  }
0xc1: {  	_ =	task.clear_ibuf [dreg:s6], $0x2FFFF;
	_ =	strace $0x9FFFFFFF  }
0xc2: {  	(tm) =	ssettm $0x7FFFFFFF  }
0xc3: {  	_ =	shalt  }
tec
execute0_lowered:
.L_overlay_start_1:
0x0: {  	(tag) =	ssettag $0x1  }
0x1: {  	s0 =	rddreg [dreg:$0x0];
	s1 =	srdreg.scid  }
0x2: {  	s2 =	rddreg [dreg:$0x1];
	s25 =	stileid.u32  }
0x3: {  	s3 =	simm.s32 $0x0;
	s17 =	simm.s32 $0x4E60;
	s18 =	simm.s32 $0x3  }
0x4: {  	s19 =	simm.s32 $0x2730;
	s20 =	simm.s32 $0x58;
	s6 =	smul.u32 $0x2730, s25  }
0x5: {  	s21 =	simm.s32 $0x1;
	s22 =	simm.s32 $0x7A60;
	s10 =	smul.u32 $0x13A00, s25  }
0x6: {  	s23 =	simm.s32 $0x2;
	s5 =	sand.u32 $0x1, s1;
	s8 =	smul.u32 $0x4E800, s25  }
0x7: {  	s24 =	simm.s32 $0x26D8;
	s28 =	simm.s32 $0x4E08;
	s4 =	smul.u32 $0x27300, s5  }
0x8: {  	[smem:$0x7FF] =	sst s3;
	s7 =	smul.u32 $0x13A000, s5;
	s5 =	ssub.s32 $0x2, s5  }
0x9: {  	s29 =	simm.s32 $0x0;
	_ =	strace $0x8000004A;
	s30 =	sshrl.u32 s5, $0x1  }
0xa: {  	s8 =	sshrl.u32 s8, $0x2;
	s31 =	sadd.s32 s10, s2;
	s6 =	sadd.s32 s6, s4  }
0xb: {  	s4 =	sadd.s32 $0x20A00, s0;
	s26 =	sadd.s32 s10, s7;
	s11 =	ssub.s32 s5, s30  }
0xc: {  	s5 =	sadd.s32 s8, s2;
	s25 =	sshrl.u32 s31, $0x3;
	s6 =	sshrl.u32 s6, $0x3  }
0xd: {  	s10 =	smax.u32 s11, $0x1;
	s11 =	sadd.s32 $0x2C00, s5;
	s12 =	sadd.s32 $0x5800, s5  }
0xe: {  	s13 =	sadd.s32 $0x8400, s5;
	s14 =	sadd.s32 $0xB000, s5;
	s15 =	sadd.s32 $0xDC00, s5  }
0xf: {  	s16 =	sadd.s32 $0x10800, s5;
	s9 =	sadd.s32 s6, s0;
	s6 =	sshrl.u32 s26, $0x3  }
0x10: {  	s26 =	simm.s32 $0x4DB0;
	s0 =	sadd.s32 s6, s0;
	s6 =	sadd.s32 $0x13400, s5  }
0x11: {  	v0 =	vimm.f32 $0.0e+00;
	s7 =	sadd.s32 $0x16C00, s9;
	s8 =	sadd.s32 $0x3000, s9;
	s9 =	sadd.s32 $0x47E00, s0  }
.LBB2_1:
0x12: {  	s0 =	sand.u32 $0xFE00, s3  }
0x13: {  	s31 =	sand.u32 $0x70, s3;
	s0 =	sshrl.u32 s0, $0x2  }
0x14: {  	s30 =	simm.s32 $0x40;
	s0 =	sor.u32 s31, s0;
	s31 =	simm.s32 $0x0  }
.LBB2_2:
0x15: {  	p0 =	sne.s32 s30, $0xAFC0  }
0x16: {  	[tilespmem:s0+$0x4E60] =	vst v0;
	s31 =	sadd.s32 $0x10, s31;
	s0 =	smov.u32 s30;
	s30 =	sadd.s32 $0x40, s30  }
.Ltmp0:
0x17: {  	(pc) =	sbr.rel @p0 .LBB2_2-.Ltmp0, $4  }
0x18: {  	_ = 	snop  }
0x19: {  	s0 =	sand.u32 $0xFE00, s0  }
0x1a: {  	s1 =	sand.u32 $0x70, s31;
	s0 =	sshrl.u32 s0, $0x2  }
0x1b: {  	s0 =	sor.u32 s1, s0  }
0x1c: {  	[tilespmem:s0+$0x4E60] =	vst v0  }
0x1d: {  	[spmem:s5] =	stream.linear.scatter [tilespmem:s17], [sflag:$0x3], $0x2C00, $0x38;
	[tilespmem:$0x1E060] =	vst v63  }
0x1e: {  	_ =	swait.ge [sflag:s18], $0x2C00  }
0x1f: {  	[sflag:s18] =	ssyncset.done $0x0  }
0x20: {  	[sflag:s18] =	ssyncadd.s32 $0xFFFFD400  }
0x21: {  	[spmem:s11] =	stream.linear.scatter [tilespmem:s17], [sflag:$0x3], $0x2C00, $0x38;
	[tilespmem:$0x1E060] =	vst v63  }
0x22: {  	_ =	swait.ge [sflag:s18], $0x2C00  }
0x23: {  	[sflag:s18] =	ssyncset.done $0x0  }
0x24: {  	[sflag:s18] =	ssyncadd.s32 $0xFFFFD400  }
0x25: {  	[spmem:s12] =	stream.linear.scatter [tilespmem:s17], [sflag:$0x3], $0x2C00, $0x38;
	[tilespmem:$0x1E060] =	vst v63  }
0x26: {  	_ =	swait.ge [sflag:s18], $0x2C00  }
0x27: {  	[sflag:s18] =	ssyncset.done $0x0  }
0x28: {  	[sflag:s18] =	ssyncadd.s32 $0xFFFFD400  }
0x29: {  	[spmem:s13] =	stream.linear.scatter [tilespmem:s17], [sflag:$0x3], $0x2C00, $0x38;
	[tilespmem:$0x1E060] =	vst v63  }
0x2a: {  	_ =	swait.ge [sflag:s18], $0x2C00  }
0x2b: {  	[sflag:s18] =	ssyncset.done $0x0  }
0x2c: {  	[sflag:s18] =	ssyncadd.s32 $0xFFFFD400  }
0x2d: {  	[spmem:s14] =	stream.linear.scatter [tilespmem:s17], [sflag:$0x3], $0x2C00, $0x38;
	[tilespmem:$0x1E060] =	vst v63  }
0x2e: {  	_ =	swait.ge [sflag:s18], $0x2C00  }
0x2f: {  	[sflag:s18] =	ssyncset.done $0x0  }
0x30: {  	[sflag:s18] =	ssyncadd.s32 $0xFFFFD400  }
0x31: {  	[spmem:s15] =	stream.linear.scatter [tilespmem:s17], [sflag:$0x3], $0x2C00, $0x38;
	[tilespmem:$0x1E060] =	vst v63  }
0x32: {  	_ =	swait.ge [sflag:s18], $0x2C00  }
0x33: {  	[sflag:s18] =	ssyncset.done $0x0  }
0x34: {  	[sflag:s18] =	ssyncadd.s32 $0xFFFFD400  }
0x35: {  	[spmem:s16] =	stream.linear.scatter [tilespmem:s17], [sflag:$0x3], $0x2C00, $0x38;
	[tilespmem:$0x1E060] =	vst v63  }
0x36: {  	_ =	swait.ge [sflag:s18], $0x2C00  }
0x37: {  	[sflag:s18] =	ssyncset.done $0x0  }
0x38: {  	[sflag:s18] =	ssyncadd.s32 $0xFFFFD400  }
0x39: {  	[spmem:s6] =	stream.linear.scatter [tilespmem:s17], [sflag:$0x3], $0x600, $0x38;
	[tilespmem:$0x1E060] =	vst v63  }
0x3a: {  	_ =	swait.ge [sflag:s18], $0x600  }
0x3b: {  	[sflag:s18] =	ssyncset.done $0x0  }
0x3c: {  	s31 =	simm.s32 $0x0;
	[sflag:s18] =	ssyncadd.s32 $0xFFFFFA00  }
0x3d: {  	[tilespmem:s31], [sflag:$0x3] =	stream.linear.gather [hbm4b:s7+s31], $0x2730, $0x38;
	[tilespmem:$0x1E060] =	vst v63  }
0x3e: {  	_ =	swait.ge [sflag:s18], $0x2730  }
0x3f: {  	[sflag:s18] =	ssyncset.done $0x0  }
0x40: {  	[sflag:s18] =	ssyncadd.s32 $0xFFFFD8D0  }
0x41: {  	[tilespmem:s19], [sflag:$0x3] =	stream.linear.gather [hbm4b:s8+s31], $0x2730, $0x38;
	[tilespmem:$0x1E060] =	vst v63  }
0x42: {  	_ =	swait.ge [sflag:s18], $0x2730  }
0x43: {  	[sflag:s18] =	ssyncset.done $0x0  }
0x44: {  	[sflag:s18] =	ssyncadd.s32 $0xFFFFD8D0  }
0x45: {  	[tilespmem:s17], [sflag:$0x1] =	stream.indirect.gather [hbm4b:s4+s20], $0x80, s31, s20, $0xb8;
	[tilespmem:$0x1E060] =	vst v63  }
0x46: {  	[bflag:$0x0] =	sbarrier.arrive $0xFFFF  }
0x47: {  	_ =	swait.ge [sflag:s21], $0x2C00  }
0x48: {  	[sflag:s21] =	ssyncset.done $0x0  }
0x49: {  	s1 =	simm.s32 $0x58;
	[sflag:s21] =	ssyncadd.s32 $0xFFFFD400  }
0x4a: {  	[tilespmem:s22], [sflag:$0x2] =	stream.indirect.gather [hbm4b:s4+s20], $0x80, s1, s20, $0xb8;
	[tilespmem:$0x1E060] =	vst v63  }
0x4b: {  	s31 =	simm.s32 $0x2730  }
0x4c: {  	[spmem:s2] =	stream.indirect.scatter.add.f32 [tilespmem:s17], [sflag:$0x3], $0x80, s31, s20, $0xb8;
	[tilespmem:$0x1E060] =	vst v63  }
0x4d: {  	_ =	swait.ge [sflag:s18], $0x2C00  }
0x4e: {  	[sflag:s18] =	ssyncset.done $0x0  }
0x4f: {  	[sflag:s18] =	ssyncadd.s32 $0xFFFFD400  }
0x50: {  	_ =	swait.ge [sflag:s23], $0x2C00  }
0x51: {  	[sflag:s23] =	ssyncset.done $0x0  }
0x52: {  	s1 =	simm.s32 $0xB0;
	[sflag:s23] =	ssyncadd.s32 $0xFFFFD400  }
0x53: {  	[tilespmem:s17], [sflag:$0x1] =	stream.indirect.gather [hbm4b:s4+s20], $0x80, s1, s20, $0xb8;
	[tilespmem:$0x1E060] =	vst v63  }
0x54: {  	s31 =	simm.s32 $0x2788  }
0x55: {  	[spmem:s2] =	stream.indirect.scatter.add.f32 [tilespmem:s22], [sflag:$0x3], $0x80, s31, s20, $0xb8;
	[tilespmem:$0x1E060] =	vst v63  }
0x56: {  	_ =	swait.ge [sflag:s18], $0x2C00  }
0x57: {  	s30 =	simm.s32 $0x2C0;
	[sflag:s18] =	ssyncset.done $0x0  }
.LBB2_4:
0x58: {  	p0 =	sne.s32 s30, $0x9740  }
0x59: {  	[sflag:s18] =	ssyncadd.s32 $0xFFFFD400;
	s0 =	smov.u32 s30;
	s30 =	sadd.s32 $0x2C0, s30  }
0x5a: {  	_ = 	snop  }
0x5b: {  	_ =	swait.ge [sflag:s21], $0x2C00  }
0x5c: {  	s0 =	sshra.s32 s0, $0x2;
	[sflag:s21] =	ssyncset.done $0x0  }
0x5d: {  	s1 =	sadd.s32 $0x58, s0;
	[sflag:s21] =	ssyncadd.s32 $0xFFFFD400  }
0x5e: {  	[tilespmem:s22], [sflag:$0x2] =	stream.indirect.gather [hbm4b:s4+s20], $0x80, s1, s20, $0xb8;
	[tilespmem:$0x1E060] =	vst v63  }
0x5f: {  	s1 =	sadd.s32 $0x2730, s0  }
0x60: {  	[spmem:s2] =	stream.indirect.scatter.add.f32 [tilespmem:s17], [sflag:$0x3], $0x80, s1, s20, $0xb8;
	[tilespmem:$0x1E060] =	vst v63  }
0x61: {  	_ =	swait.ge [sflag:s18], $0x2C00  }
0x62: {  	[sflag:s18] =	ssyncset.done $0x0  }
0x63: {  	[sflag:s18] =	ssyncadd.s32 $0xFFFFD400  }
0x64: {  	_ =	swait.ge [sflag:s23], $0x2C00  }
0x65: {  	[sflag:s23] =	ssyncset.done $0x0  }
0x66: {  	s1 =	sadd.s32 $0xB0, s0;
	[sflag:s23] =	ssyncadd.s32 $0xFFFFD400  }
0x67: {  	[tilespmem:s17], [sflag:$0x1] =	stream.indirect.gather [hbm4b:s4+s20], $0x80, s1, s20, $0xb8;
	[tilespmem:$0x1E060] =	vst v63  }
.Ltmp1:
0x68: {  	_ = 	snop;
	(pc) =	sbr.rel @p0 .LBB2_4-.Ltmp1, $4  }
0x69: {  	s0 =	sadd.s32 $0x2788, s0  }
0x6a: {  	[spmem:s2] =	stream.indirect.scatter.add.f32 [tilespmem:s22], [sflag:$0x3], $0x80, s0, s20, $0xb8;
	[tilespmem:$0x1E060] =	vst v63  }
0x6b: {  	_ =	swait.ge [sflag:s18], $0x2C00  }
0x6c: {  	[sflag:s18] =	ssyncset.done $0x0  }
0x6d: {  	[sflag:s18] =	ssyncadd.s32 $0xFFFFD400  }
0x6e: {  	_ =	swait.ge [sflag:s21], $0x2C00  }
0x6f: {  	[sflag:s21] =	ssyncset.done $0x0  }
0x70: {  	[sflag:s21] =	ssyncadd.s32 $0xFFFFD400  }
0x71: {  	[tilespmem:s22], [sflag:$0x2] =	stream.indirect.gather [hbm4b:s4+s20], $0x80, s24, s20, $0xb8;
	[tilespmem:$0x1E060] =	vst v63  }
0x72: {  	_ = 	snop  }
0x73: {  	[spmem:s2] =	stream.indirect.scatter.add.f32 [tilespmem:s17], [sflag:$0x3], $0x80, s26, s20, $0xb8;
	[tilespmem:$0x1E060] =	vst v63  }
0x74: {  	_ =	swait.ge [sflag:s18], $0x2C00  }
0x75: {  	[sflag:s18] =	ssyncset.done $0x0  }
0x76: {  	[sflag:s18] =	ssyncadd.s32 $0xFFFFD400  }
0x77: {  	_ =	swait.ge [sflag:s23], $0x2C00  }
0x78: {  	[sflag:s23] =	ssyncset.done $0x0  }
0x79: {  	[sflag:s23] =	ssyncadd.s32 $0xFFFFD400  }
0x7a: {  	[tilespmem:s17], [sflag:$0x1] =	stream.indirect.gather [hbm4b:s4+s20], $0x80, s3, s20, $0xb8;
	[tilespmem:$0x1E060] =	vst v63  }
0x7b: {  	_ = 	snop  }
0x7c: {  	[spmem:s2] =	stream.indirect.scatter.add.f32 [tilespmem:s22], [sflag:$0x3], $0x80, s28, s20, $0xb8;
	[tilespmem:$0x1E060] =	vst v63  }
0x7d: {  	_ =	swait.ge [sflag:s18], $0x2C00  }
0x7e: {  	[sflag:s18] =	ssyncset.done $0x0  }
0x7f: {  	[sflag:s18] =	ssyncadd.s32 $0xFFFFD400  }
0x80: {  	_ =	swait.ge [sflag:s21], $0x2C00  }
0x81: {  	s0 =	stileid.u32;
	s29 =	sadd.s32 $0x1, s29;
	[sflag:s21] =	ssyncset.done $0x0  }
0x82: {  	s0 =	sshll.u32 s0, $0x6;
	p0 =	sne.s32 s29, s10;
	[sflag:s21] =	ssyncadd.s32 $0xFFFFD400  }
.Ltmp2:
0x83: {  	s0 =	sor.u32 $0x1C03, s0;
	[bflag:$0x0] =	sbarrier.arrive $0xFFFF;
	(pc) =	sbr.rel @p0 .LBB2_1-.Ltmp2, $4  }
0x84: {  	[hbm:s9], [sflag:s0] =	dma.local [spmem:s25], $0x2740  }
0x85: {  	_ =	swait.ge [sflag:s18], $0x2740  }
0x86: {  	[sflag:s18] =	ssyncset.done $0x0  }
0x87: {  	[sflag:s18] =	ssyncadd.s32 $0xFFFFD8C0  }
0x88: {  	_ =	sfence.sel $0x180000  }
0x89: {  	[bflag:$0x0] =	sbarrier.arrive $0xFFFF  }
0x8a: {  	_ =	strace $0x9000004A  }
0x8b: {  	s0 =	stileid.u32;
	[bflag:$0x2] =	sbarrier.arrive $0xFFFF  }
0x8c: {  	p0 =	sne.s32 s0, $0x0;
	s0 =	rddreg [dreg:$0x2]  }
0x8d: {  	s0 =	sadd.s32 @!p0 $0x100000, s0  }
0x8e: {  	[sflag:s0] =	ssyncadd.tile.s32 @!p0 $0x1;
	_ =	shalt  }
.Lfunc_end2:
_tile_overlayer_lowered:
.L_overlay_start_2:
0x8f: {  	(tag) =	ssettag $0x2  }
0x90: {  	s0 =	rddreg [dreg:$0x0];
	s2 =	stileid.u32  }
0x91: {  	s1 =	rddreg [dreg:$0x1];
	p0 =	sne.s32 s2, $0x0  }
0x92: {  	s3 =	rddreg [dreg:$0x2];
	[bflag:$0x3] =	sbarrier.arrive $0xFFFF;
	s2 =	simm.s32 @!p0 $0x1C03  }
0x93: {  	[timem:s3], [sflag:s2] =	dma.local @!p0 [hbm:s0], s1  }
0x94: {  	s0 =	simm.s32 @!p0 $0x3  }
0x95: {  	_ =	swait.ge @!p0 [sflag:s0], s1  }
0x96: {  	s1 =	ssub.s32 @!p0 $0x0, s1;
	[sflag:s0] =	ssyncset.done @!p0 $0x0  }
0x97: {  	[sflag:s0] =	ssyncadd.s32 @!p0 s1  }
0x98: {  	[bflag:$0x3] =	sbarrier.arrive $0xFFFF  }
0x99: {  	_ =	shalt  }

// kernel: kernel.14.cloned.1.call-start
scs
__scs_entry_jumppad:
0x0: {  	(pc) =	sbr.rel $0x88, $3  }
0x1: {  	(tag) =	ssettag $0x0;
	lr =	simm.s32 $0x1  }
0x2: {  	[smem:$0x3F9B] =	sst lr;
	_ =	strace $0xD0000000  }
0x3: {  	_ = 	snop  }
0x4: {  	_ = 	snop  }
0x5: {  	_ = 	snop  }
0x6: {  	_ = 	snop  }
0x7: {  	_ = 	snop  }
__scs_overlays_trampoline_lowered:
0x8: {  	[smem:$0x3FAA] =	sst s0  }
0x9: {  	[smem:$0x3FAB] =	sst s1  }
0xa: {  	[smem:$0x3FAC] =	sst s2  }
0xb: {  	[smem:$0x3FAD] =	sst s3  }
0xc: {  	[smem:$0x3FAE] =	sst s4  }
0xd: {  	[smem:$0x3FAF] =	sst s5  }
0xe: {  	[smem:$0x3FB0] =	sst s6  }
0xf: {  	[smem:$0x3FB1] =	sst s7  }
0x10: {  	[smem:$0x3FB2] =	sst s8  }
0x11: {  	[smem:$0x3FB3] =	sst s9;
	s0 =	simm.s32 @!p0 $0x0  }
0x12: {  	s1 =	sld [smem:$0x3F99];
	s0 =	simm.s32 @p0 $0x1  }
0x13: {  	[smem:$0x3FB4] =	sst s0;
	s0 =	simm.s32 @!p1 $0x0  }
0x14: {  	s2 =	sld [smem:$0x3F98];
	s0 =	simm.s32 @p1 $0x1  }
0x15: {  	[smem:$0x3FB5] =	sst s0;
	s0 =	simm.s32 @!p2 $0x0  }
0x16: {  	s3 =	sld [smem:$0x3FDB];
	s0 =	simm.s32 @p2 $0x1  }
0x17: {  	s4 =	simm.s32 $0x1BF5;
	[smem:$0x3FB7] =	sst s0  }
0x18: {  	s0 =	sld [smem:$0x3F9A];
	_ =	swait.ge [sflag:s4], $0x0  }
0x19: {  	s7 =	sld [smem:$0x3F9B]  }
0x1a: {  	s8 =	sadd.s32 $0xFFFFE003, lr  }
0x1b: {  	s9 =	sadd.s32 $0xFFFFFEF7, lr;
	s5 =	simm.s32 $0xFFFFFFFF;
	p2 =	slt.u32 s8, $0xFFFFF086  }
0x1c: {  	p1 =	slt.u32 s9, $0xF7A;
	s5 =	simm.s32 @!p2 $0x0  }
0x1d: {  	s5 =	simm.s32 @p1 $0x1;
	p0 =	seq.s32 s7, s2  }
0x1e: {  	s7 =	smul.u32 @!p0 $0xF7A, s2;
	p2 =	seq.s32 @!p0 s5, $0x0  }
0x1f: {  	s9 =	smul.u32 $0xF7A, s1;
	s8 =	simm.s32 @!p0 $0x1BF5;
	p2 =	por !p2, p0  }
0x20: {  	[sflag:s8] =	ssyncset.s32 @!p0 $0xFFFFF086;
	s6 =	sadd.s32 @!p0 s3, s7;
	s7 =	simm.s32 @!p0 $0x108  }
0x21: {  	s3 =	sadd.s32 s3, s9;
	s6 =	sadd.s32 @!p0 $0x88, s6;
	s7 =	simm.s32 @p2 $0x1082  }
0x22: {  	[simem:s7], [sflag:s8] =	dma.local @!p0 [hbm:s6], $0xF7A  }
0x23: {  	s9 =	sor.u32 $0xD0000000, s2;
	s6 =	simm.s32 $0x108;
	_ =	swait.ge @!p0 [sflag:s8], $0x0  }
0x24: {  	s3 =	sadd.s32 $0x88, s3;
	s6 =	simm.s32 @!p1 $0x1082;
	[sflag:s4] =	ssyncset.s32 $0xFFFFF086  }
0x25: {  	[simem:s6], [sflag:s4] =	dma.local [hbm:s3], $0xF7A  }
0x26: {  	[smem:$0x3F9B] =	sst s1;
	(tag) =	ssettag s2;
	_ =	strace s9  }
0x27: {  	s1 =	sld [smem:$0x3FAB]  }
0x28: {  	s2 =	sld [smem:$0x3FAC]  }
0x29: {  	s4 =	sld [smem:$0x3FAE]  }
0x2a: {  	p0 =	seq.s32 s5, $0x0;
	s5 =	sld [smem:$0x3FAF]  }
0x2b: {  	s6 =	sld [smem:$0x3FB0]  }
0x2c: {  	s7 =	sld [smem:$0x3FB1]  }
0x2d: {  	s3 =	simm.s32 $0x108;
	s8 =	sld [smem:$0x3FB2]  }
0x2e: {  	s3 =	simm.s32 @!p0 $0x1082;
	s9 =	sld [smem:$0x3FB3]  }
0x2f: {  	lr =	sadd.s32 s0, s3;
	s0 =	sld [smem:$0x3FAA]  }
0x30: {  	s3 =	sld [smem:$0x3FAD]  }
0x31: {  	[smem:$0x3FB6] =	sst s10  }
0x32: {  	s10 =	sld [smem:$0x3FB4];
	_ =	sdelay $0x3  }
0x33: {  	p0 =	seq.s32 s10, $0x1;
	s10 =	sld [smem:$0x3FB6];
	_ =	sdelay $0x3  }
0x34: {  	[smem:$0x3FB6] =	sst s10  }
0x35: {  	s10 =	sld [smem:$0x3FB5];
	_ =	sdelay $0x3  }
0x36: {  	p1 =	seq.s32 s10, $0x1;
	s10 =	sld [smem:$0x3FB6];
	_ =	sdelay $0x3  }
0x37: {  	[smem:$0x3FB6] =	sst s10  }
0x38: {  	s10 =	sld [smem:$0x3FB7]  }
0x39: {  	_ = 	snop;
	(pc) =	sbr.ind lr, $3  }
0x3a: {  	_ = 	snop  }
0x3b: {  	_ = 	snop  }
0x3c: {  	p2 =	seq.s32 s10, $0x1;
	s10 =	sld [smem:$0x3FB6]  }
0x3d: {  	_ =	shalt  }
0x3e: {  	_ =	shalt  }
0x3f: {  	_ =	shalt  }
0x40: {  	_ =	shalt  }
0x41: {  	_ =	shalt  }
0x42: {  	_ =	shalt  }
0x43: {  	_ =	shalt  }
0x44: {  	_ =	shalt  }
0x45: {  	_ =	shalt  }
0x46: {  	_ =	shalt  }
0x47: {  	_ =	shalt  }
0x48: {  	_ =	shalt  }
0x49: {  	_ =	shalt  }
0x4a: {  	_ =	shalt  }
0x4b: {  	_ =	shalt  }
0x4c: {  	_ =	shalt  }
0x4d: {  	_ =	shalt  }
0x4e: {  	_ =	shalt  }
0x4f: {  	_ =	shalt  }
0x50: {  	_ =	shalt  }
0x51: {  	_ =	shalt  }
0x52: {  	_ =	shalt  }
0x53: {  	_ =	shalt  }
0x54: {  	_ =	shalt  }
0x55: {  	_ =	shalt  }
0x56: {  	_ =	shalt  }
0x57: {  	_ =	shalt  }
0x58: {  	_ =	shalt  }
0x59: {  	_ =	shalt  }
0x5a: {  	_ =	shalt  }
0x5b: {  	_ =	shalt  }
0x5c: {  	_ =	shalt  }
0x5d: {  	_ =	shalt  }
0x5e: {  	_ =	shalt  }
0x5f: {  	_ =	shalt  }
0x60: {  	_ =	shalt  }
0x61: {  	_ =	shalt  }
0x62: {  	_ =	shalt  }
0x63: {  	_ =	shalt  }
0x64: {  	_ =	shalt  }
0x65: {  	_ =	shalt  }
0x66: {  	_ =	shalt  }
0x67: {  	_ =	shalt  }
0x68: {  	_ =	shalt  }
0x69: {  	_ =	shalt  }
0x6a: {  	_ =	shalt  }
0x6b: {  	_ =	shalt  }
0x6c: {  	_ =	shalt  }
0x6d: {  	_ =	shalt  }
0x6e: {  	_ =	shalt  }
0x6f: {  	_ =	shalt  }
0x70: {  	_ =	shalt  }
0x71: {  	_ =	shalt  }
0x72: {  	_ =	shalt  }
0x73: {  	_ =	shalt  }
0x74: {  	_ =	shalt  }
0x75: {  	_ =	shalt  }
0x76: {  	_ =	shalt  }
0x77: {  	_ =	shalt  }
0x78: {  	_ =	shalt  }
0x79: {  	_ =	shalt  }
0x7a: {  	_ =	shalt  }
0x7b: {  	_ =	shalt  }
0x7c: {  	_ =	shalt  }
0x7d: {  	_ =	shalt  }
0x7e: {  	_ =	shalt  }
0x7f: {  	_ =	shalt  }
0x80: {  	_ =	shalt  }
0x81: {  	_ =	shalt  }
0x82: {  	_ =	shalt  }
0x83: {  	_ =	shalt  }
0x84: {  	_ =	shalt  }
0x85: {  	_ =	shalt  }
0x86: {  	_ =	shalt  }
0x87: {  	_ =	shalt  }
.Lfunc_end0:
.L_simem_size_0:
called_computation.2_lowered:
.L_overlay_start_0:
0x88: {  	s2 =	sld [smem:$0x3FD9]  }
0x89: {  	s3 =	sld [smem:$0x3FFE];
	_ =	sdelay $0x1  }
0x8a: {  	s1 =	srdreg.scid  }
0x8b: {  	s0 =	sand.u32 $0x1, s1  }
0x8c: {  	s16 =	sshll.u32 s0, $0xA;
	s2 =	sadd.s32 s3, s2  }
0x8d: {  	s2 =	sadd.s32 s2, s16  }
0x8e: {  	[smem:$0x3FC2] =	sst s2  }
0x8f: {  	_ = 	snop  }
0x90: {  	(tm) =	ssettm $0x1  }
0x91: {  	s17 =	sld [smem:$0x3FFB];
	_ =	sdelay $0x3  }
0x92: {  	_ =	strace s17  }
0x93: {  	s2 =	sld [smem:$0x3FFC];
	_ =	sdelay $0x3  }
0x94: {  	_ =	strace s2  }
0x95: {  	s2 =	sld [smem:$0x3FFD];
	_ =	sdelay $0x3  }
0x96: {  	_ =	strace s2  }
0x97: {  	_ =	strace $0x8FFFFFFF  }
0x98: {  	s18 =	sld [smem:$0x3FDB];
	_ =	sdelay $0x1  }
0x99: {  	s19 =	simm.s32 $_scs_section_size  }
0x9a: {  	s4 =	simm.s32 $_size__tile_overlayer_lowered;
	s5 =	simm.s32 $_tile_overlayer_lowered  }
0x9b: {  	s22 =	simm.s32 $0x1BFF;
	s21 =	sshll.u32 s5, $0x1;
	s2 =	sadd.s32 s19, s18  }
0x9c: {  	s6 =	simm.s32 $0x0;
	s20 =	sshll.u32 s4, $0x1;
	s4 =	sadd.s32 s21, s2  }
0x9d: {  	[timem:s6], [sflag:s22] =	dma.local [hbm:s4], s20  }
0x9e: {  	_ =	swait.ge [sflag:s22], s20  }
0x9f: {  	s3 =	ssub.s32 $0x0, s20;
	[sflag:s22] =	ssyncset.done $0x0  }
0xa0: {  	[sflag:s22] =	ssyncadd.s32 s3;
	_ =	sdelay $0x1  }
0xa1: {  	s23 =	simm.s32 $0x1B8B  }
0xa2: {  	_ =	swait.ge [sflag:s23], $0x1  }
0xa3: {  	[sflag:s23] =	ssyncset.done $0x0  }
0xa4: {  	s25 =	simm.s32 $0x1B8E;
	s24 =	sld [smem:$0x3FFE];
	[sflag:s23] =	ssyncadd.s32 $0xFFFFFFFF  }
0xa5: {  	s26 =	simm.s32 $execute0_lowered;
	[smem:$0x3FD2] =	sst s25  }
0xa6: {  	s4 =	sshll.u32 s26, $0x1;
	_ =	strace $0x8000004C;
	[dreg:$0x1] =	wrdreg $0xFFFFFFFF  }
0xa7: {  	s28 =	simm.s32 $_size_execute0_lowered;
	s2 =	sadd.s32 s2, s4;
	[dreg:$0x0] =	wrdreg $0x0  }
0xa8: {  	s4 =	sshll.u32 s28, $0x1;
	[dreg:$0x2] =	wrdreg s2  }
0xa9: {  	[dreg:$0x3] =	wrdreg s4  }
0xaa: {  	[dreg:$0x4] =	wrdreg $0xC0  }
0xab: {  	_ =	task [dreg:s6], $0x5FFFF  }
0xac: {  	[dreg:$0x1] =	wrdreg $0xFFFFFFFF  }
0xad: {  	[dreg:$0x0] =	wrdreg $0x60  }
0xae: {  	[dreg:$0x2] =	wrdreg s24  }
0xaf: {  	[dreg:$0x3] =	wrdreg $0xA6600  }
0xb0: {  	[dreg:$0x4] =	wrdreg $0x9  }
0xb1: {  	_ =	task.clear_ibuf [dreg:s6], $0x5FFFF;
	_ =	strace $0x9000004C  }
0xb2: {  	s29 =	simm.s32 $0x9;
	_ =	strace $0x8000004E  }
0xb3: {  	_ =	swait.ge [sflag:s29], $0x1  }
0xb4: {  	[sflag:s29] =	ssyncadd.s32 $0xFFFFFFFF  }
0xb5: {  	_ =	strace $0x9000004E  }
0xb6: {  	_ =	sfence  }
0xb7: {  	s30 =	sld [smem:$0x0];
	_ =	sdelay $0x2  }
0xb8: {  	s31 =	sshll.u32 s1, $0xD;
	s1 =	sshrl.u32 s1, $0x2  }
0xb9: {  	s3 =	sand.u32 $0x4000, s31;
	s1 =	sadd.s32 s1, s30  }
0xba: {  	s0 =	sor.u32 s3, s0;
	s1 =	sshll.u32 s1, $0x11  }
0xbb: {  	s0 =	sor.u32 s1, s0  }
0xbc: {  	s0 =	sadd.s32 $0x8F2B, s0  }
0xbd: {  	[sflag:s0] =	ssyncadd.remote.s32 $0x1  }
0xbe: {  	_ =	sfence.sel $0xFFFF  }
0xbf: {  	[dreg:$0x0] =	wrdreg $0xFFFFFFFF;
	(pc) =	sbr.abs _section_cstart, $3  }
0xc0: {  	[dreg:$0x1] =	wrdreg $0xFFFFFFFF  }
0xc1: {  	_ =	task.clear_ibuf [dreg:s6], $0x2FFFF;
	_ =	strace $0x9FFFFFFF  }
0xc2: {  	(tm) =	ssettm $0x7FFFFFFF  }
0xc3: {  	_ =	shalt  }
tec
execute0_lowered:
.L_overlay_start_1:
0x0: {  	(tag) =	ssettag $0x1  }
0x1: {  	s0 =	rddreg [dreg:$0x0];
	s1 =	srdreg.scid  }
0x2: {  	s2 =	rddreg [dreg:$0x1];
	s25 =	stileid.u32  }
0x3: {  	s3 =	simm.s32 $0x0;
	s17 =	simm.s32 $0x4E60;
	s18 =	simm.s32 $0x3  }
0x4: {  	s19 =	simm.s32 $0x2730;
	s20 =	simm.s32 $0x58;
	s6 =	smul.u32 $0x2730, s25  }
0x5: {  	s21 =	simm.s32 $0x1;
	s22 =	simm.s32 $0x7A60;
	s10 =	smul.u32 $0x13A00, s25  }
0x6: {  	s23 =	simm.s32 $0x2;
	s5 =	sand.u32 $0x1, s1;
	s8 =	smul.u32 $0x4E800, s25  }
0x7: {  	s24 =	simm.s32 $0x26D8;
	s28 =	simm.s32 $0x4E08;
	s4 =	smul.u32 $0x27300, s5  }
0x8: {  	[smem:$0x7FF] =	sst s3;
	s7 =	smul.u32 $0x13A000, s5;
	s5 =	ssub.s32 $0x2, s5  }
0x9: {  	s29 =	simm.s32 $0x0;
	_ =	strace $0x8000004D;
	s30 =	sshrl.u32 s5, $0x1  }
0xa: {  	s8 =	sshrl.u32 s8, $0x2;
	s31 =	sadd.s32 s10, s2;
	s6 =	sadd.s32 s6, s4  }
0xb: {  	s4 =	sadd.s32 $0x20A00, s0;
	s26 =	sadd.s32 s10, s7;
	s11 =	ssub.s32 s5, s30  }
0xc: {  	s5 =	sadd.s32 s8, s2;
	s25 =	sshrl.u32 s31, $0x3;
	s6 =	sshrl.u32 s6, $0x3  }
0xd: {  	s10 =	smax.u32 s11, $0x1;
	s11 =	sadd.s32 $0x2C00, s5;
	s12 =	sadd.s32 $0x5800, s5  }
0xe: {  	s13 =	sadd.s32 $0x8400, s5;
	s14 =	sadd.s32 $0xB000, s5;
	s15 =	sadd.s32 $0xDC00, s5  }
0xf: {  	s16 =	sadd.s32 $0x10800, s5;
	s9 =	sadd.s32 s6, s0;
	s6 =	sshrl.u32 s26, $0x3  }
0x10: {  	s26 =	simm.s32 $0x4DB0;
	s0 =	sadd.s32 s6, s0;
	s6 =	sadd.s32 $0x13400, s5  }
0x11: {  	v0 =	vimm.f32 $0.0e+00;
	s7 =	sadd.s32 $0x16C00, s9;
	s8 =	sadd.s32 $0x3000, s9;
	s9 =	sadd.s32 $0x47E00, s0  }
.LBB2_1:
0x12: {  	s0 =	sand.u32 $0xFE00, s3  }
0x13: {  	s31 =	sand.u32 $0x70, s3;
	s0 =	sshrl.u32 s0, $0x2  }
0x14: {  	s30 =	simm.s32 $0x40;
	s0 =	sor.u32 s31, s0;
	s31 =	simm.s32 $0x0  }
.LBB2_2:
0x15: {  	p0 =	sne.s32 s30, $0xAFC0  }
0x16: {  	[tilespmem:s0+$0x4E60] =	vst v0;
	s31 =	sadd.s32 $0x10, s31;
	s0 =	smov.u32 s30;
	s30 =	sadd.s32 $0x40, s30  }
.Ltmp0:
0x17: {  	(pc) =	sbr.rel @p0 .LBB2_2-.Ltmp0, $4  }
0x18: {  	_ = 	snop  }
0x19: {  	s0 =	sand.u32 $0xFE00, s0  }
0x1a: {  	s1 =	sand.u32 $0x70, s31;
	s0 =	sshrl.u32 s0, $0x2  }
0x1b: {  	s0 =	sor.u32 s1, s0  }
0x1c: {  	[tilespmem:s0+$0x4E60] =	vst v0  }
0x1d: {  	[spmem:s5] =	stream.linear.scatter [tilespmem:s17], [sflag:$0x3], $0x2C00, $0x38;
	[tilespmem:$0x1E060] =	vst v63  }
0x1e: {  	_ =	swait.ge [sflag:s18], $0x2C00  }
0x1f: {  	[sflag:s18] =	ssyncset.done $0x0  }
0x20: {  	[sflag:s18] =	ssyncadd.s32 $0xFFFFD400  }
0x21: {  	[spmem:s11] =	stream.linear.scatter [tilespmem:s17], [sflag:$0x3], $0x2C00, $0x38;
	[tilespmem:$0x1E060] =	vst v63  }
0x22: {  	_ =	swait.ge [sflag:s18], $0x2C00  }
0x23: {  	[sflag:s18] =	ssyncset.done $0x0  }
0x24: {  	[sflag:s18] =	ssyncadd.s32 $0xFFFFD400  }
0x25: {  	[spmem:s12] =	stream.linear.scatter [tilespmem:s17], [sflag:$0x3], $0x2C00, $0x38;
	[tilespmem:$0x1E060] =	vst v63  }
0x26: {  	_ =	swait.ge [sflag:s18], $0x2C00  }
0x27: {  	[sflag:s18] =	ssyncset.done $0x0  }
0x28: {  	[sflag:s18] =	ssyncadd.s32 $0xFFFFD400  }
0x29: {  	[spmem:s13] =	stream.linear.scatter [tilespmem:s17], [sflag:$0x3], $0x2C00, $0x38;
	[tilespmem:$0x1E060] =	vst v63  }
0x2a: {  	_ =	swait.ge [sflag:s18], $0x2C00  }
0x2b: {  	[sflag:s18] =	ssyncset.done $0x0  }
0x2c: {  	[sflag:s18] =	ssyncadd.s32 $0xFFFFD400  }
0x2d: {  	[spmem:s14] =	stream.linear.scatter [tilespmem:s17], [sflag:$0x3], $0x2C00, $0x38;
	[tilespmem:$0x1E060] =	vst v63  }
0x2e: {  	_ =	swait.ge [sflag:s18], $0x2C00  }
0x2f: {  	[sflag:s18] =	ssyncset.done $0x0  }
0x30: {  	[sflag:s18] =	ssyncadd.s32 $0xFFFFD400  }
0x31: {  	[spmem:s15] =	stream.linear.scatter [tilespmem:s17], [sflag:$0x3], $0x2C00, $0x38;
	[tilespmem:$0x1E060] =	vst v63  }
0x32: {  	_ =	swait.ge [sflag:s18], $0x2C00  }
0x33: {  	[sflag:s18] =	ssyncset.done $0x0  }
0x34: {  	[sflag:s18] =	ssyncadd.s32 $0xFFFFD400  }
0x35: {  	[spmem:s16] =	stream.linear.scatter [tilespmem:s17], [sflag:$0x3], $0x2C00, $0x38;
	[tilespmem:$0x1E060] =	vst v63  }
0x36: {  	_ =	swait.ge [sflag:s18], $0x2C00  }
0x37: {  	[sflag:s18] =	ssyncset.done $0x0  }
0x38: {  	[sflag:s18] =	ssyncadd.s32 $0xFFFFD400  }
0x39: {  	[spmem:s6] =	stream.linear.scatter [tilespmem:s17], [sflag:$0x3], $0x600, $0x38;
	[tilespmem:$0x1E060] =	vst v63  }
0x3a: {  	_ =	swait.ge [sflag:s18], $0x600  }
0x3b: {  	[sflag:s18] =	ssyncset.done $0x0  }
0x3c: {  	s31 =	simm.s32 $0x0;
	[sflag:s18] =	ssyncadd.s32 $0xFFFFFA00  }
0x3d: {  	[tilespmem:s31], [sflag:$0x3] =	stream.linear.gather [hbm4b:s7+s31], $0x2730, $0x38;
	[tilespmem:$0x1E060] =	vst v63  }
0x3e: {  	_ =	swait.ge [sflag:s18], $0x2730  }
0x3f: {  	[sflag:s18] =	ssyncset.done $0x0  }
0x40: {  	[sflag:s18] =	ssyncadd.s32 $0xFFFFD8D0  }
0x41: {  	[tilespmem:s19], [sflag:$0x3] =	stream.linear.gather [hbm4b:s8+s31], $0x2730, $0x38;
	[tilespmem:$0x1E060] =	vst v63  }
0x42: {  	_ =	swait.ge [sflag:s18], $0x2730  }
0x43: {  	[sflag:s18] =	ssyncset.done $0x0  }
0x44: {  	[sflag:s18] =	ssyncadd.s32 $0xFFFFD8D0  }
0x45: {  	[tilespmem:s17], [sflag:$0x1] =	stream.indirect.gather [hbm4b:s4+s20], $0x80, s31, s20, $0xb8;
	[tilespmem:$0x1E060] =	vst v63  }
0x46: {  	[bflag:$0x0] =	sbarrier.arrive $0xFFFF  }
0x47: {  	_ =	swait.ge [sflag:s21], $0x2C00  }
0x48: {  	[sflag:s21] =	ssyncset.done $0x0  }
0x49: {  	s1 =	simm.s32 $0x58;
	[sflag:s21] =	ssyncadd.s32 $0xFFFFD400  }
0x4a: {  	[tilespmem:s22], [sflag:$0x2] =	stream.indirect.gather [hbm4b:s4+s20], $0x80, s1, s20, $0xb8;
	[tilespmem:$0x1E060] =	vst v63  }
0x4b: {  	s31 =	simm.s32 $0x2730  }
0x4c: {  	[spmem:s2] =	stream.indirect.scatter.add.f32 [tilespmem:s17], [sflag:$0x3], $0x80, s31, s20, $0xb8;
	[tilespmem:$0x1E060] =	vst v63  }
0x4d: {  	_ =	swait.ge [sflag:s18], $0x2C00  }
0x4e: {  	[sflag:s18] =	ssyncset.done $0x0  }
0x4f: {  	[sflag:s18] =	ssyncadd.s32 $0xFFFFD400  }
0x50: {  	_ =	swait.ge [sflag:s23], $0x2C00  }
0x51: {  	[sflag:s23] =	ssyncset.done $0x0  }
0x52: {  	s1 =	simm.s32 $0xB0;
	[sflag:s23] =	ssyncadd.s32 $0xFFFFD400  }
0x53: {  	[tilespmem:s17], [sflag:$0x1] =	stream.indirect.gather [hbm4b:s4+s20], $0x80, s1, s20, $0xb8;
	[tilespmem:$0x1E060] =	vst v63  }
0x54: {  	s31 =	simm.s32 $0x2788  }
0x55: {  	[spmem:s2] =	stream.indirect.scatter.add.f32 [tilespmem:s22], [sflag:$0x3], $0x80, s31, s20, $0xb8;
	[tilespmem:$0x1E060] =	vst v63  }
0x56: {  	_ =	swait.ge [sflag:s18], $0x2C00  }
0x57: {  	s30 =	simm.s32 $0x2C0;
	[sflag:s18] =	ssyncset.done $0x0  }
.LBB2_4:
0x58: {  	p0 =	sne.s32 s30, $0x9740  }
0x59: {  	[sflag:s18] =	ssyncadd.s32 $0xFFFFD400;
	s0 =	smov.u32 s30;
	s30 =	sadd.s32 $0x2C0, s30  }
0x5a: {  	_ = 	snop  }
0x5b: {  	_ =	swait.ge [sflag:s21], $0x2C00  }
0x5c: {  	s0 =	sshra.s32 s0, $0x2;
	[sflag:s21] =	ssyncset.done $0x0  }
0x5d: {  	s1 =	sadd.s32 $0x58, s0;
	[sflag:s21] =	ssyncadd.s32 $0xFFFFD400  }
0x5e: {  	[tilespmem:s22], [sflag:$0x2] =	stream.indirect.gather [hbm4b:s4+s20], $0x80, s1, s20, $0xb8;
	[tilespmem:$0x1E060] =	vst v63  }
0x5f: {  	s1 =	sadd.s32 $0x2730, s0  }
0x60: {  	[spmem:s2] =	stream.indirect.scatter.add.f32 [tilespmem:s17], [sflag:$0x3], $0x80, s1, s20, $0xb8;
	[tilespmem:$0x1E060] =	vst v63  }
0x61: {  	_ =	swait.ge [sflag:s18], $0x2C00  }
0x62: {  	[sflag:s18] =	ssyncset.done $0x0  }
0x63: {  	[sflag:s18] =	ssyncadd.s32 $0xFFFFD400  }
0x64: {  	_ =	swait.ge [sflag:s23], $0x2C00  }
0x65: {  	[sflag:s23] =	ssyncset.done $0x0  }
0x66: {  	s1 =	sadd.s32 $0xB0, s0;
	[sflag:s23] =	ssyncadd.s32 $0xFFFFD400  }
0x67: {  	[tilespmem:s17], [sflag:$0x1] =	stream.indirect.gather [hbm4b:s4+s20], $0x80, s1, s20, $0xb8;
	[tilespmem:$0x1E060] =	vst v63  }
.Ltmp1:
0x68: {  	_ = 	snop;
	(pc) =	sbr.rel @p0 .LBB2_4-.Ltmp1, $4  }
0x69: {  	s0 =	sadd.s32 $0x2788, s0  }
0x6a: {  	[spmem:s2] =	stream.indirect.scatter.add.f32 [tilespmem:s22], [sflag:$0x3], $0x80, s0, s20, $0xb8;
	[tilespmem:$0x1E060] =	vst v63  }
0x6b: {  	_ =	swait.ge [sflag:s18], $0x2C00  }
0x6c: {  	[sflag:s18] =	ssyncset.done $0x0  }
0x6d: {  	[sflag:s18] =	ssyncadd.s32 $0xFFFFD400  }
0x6e: {  	_ =	swait.ge [sflag:s21], $0x2C00  }
0x6f: {  	[sflag:s21] =	ssyncset.done $0x0  }
0x70: {  	[sflag:s21] =	ssyncadd.s32 $0xFFFFD400  }
0x71: {  	[tilespmem:s22], [sflag:$0x2] =	stream.indirect.gather [hbm4b:s4+s20], $0x80, s24, s20, $0xb8;
	[tilespmem:$0x1E060] =	vst v63  }
0x72: {  	_ = 	snop  }
0x73: {  	[spmem:s2] =	stream.indirect.scatter.add.f32 [tilespmem:s17], [sflag:$0x3], $0x80, s26, s20, $0xb8;
	[tilespmem:$0x1E060] =	vst v63  }
0x74: {  	_ =	swait.ge [sflag:s18], $0x2C00  }
0x75: {  	[sflag:s18] =	ssyncset.done $0x0  }
0x76: {  	[sflag:s18] =	ssyncadd.s32 $0xFFFFD400  }
0x77: {  	_ =	swait.ge [sflag:s23], $0x2C00  }
0x78: {  	[sflag:s23] =	ssyncset.done $0x0  }
0x79: {  	[sflag:s23] =	ssyncadd.s32 $0xFFFFD400  }
0x7a: {  	[tilespmem:s17], [sflag:$0x1] =	stream.indirect.gather [hbm4b:s4+s20], $0x80, s3, s20, $0xb8;
	[tilespmem:$0x1E060] =	vst v63  }
0x7b: {  	_ = 	snop  }
0x7c: {  	[spmem:s2] =	stream.indirect.scatter.add.f32 [tilespmem:s22], [sflag:$0x3], $0x80, s28, s20, $0xb8;
	[tilespmem:$0x1E060] =	vst v63  }
0x7d: {  	_ =	swait.ge [sflag:s18], $0x2C00  }
0x7e: {  	[sflag:s18] =	ssyncset.done $0x0  }
0x7f: {  	[sflag:s18] =	ssyncadd.s32 $0xFFFFD400  }
0x80: {  	_ =	swait.ge [sflag:s21], $0x2C00  }
0x81: {  	s0 =	stileid.u32;
	s29 =	sadd.s32 $0x1, s29;
	[sflag:s21] =	ssyncset.done $0x0  }
0x82: {  	s0 =	sshll.u32 s0, $0x6;
	p0 =	sne.s32 s29, s10;
	[sflag:s21] =	ssyncadd.s32 $0xFFFFD400  }
.Ltmp2:
0x83: {  	s0 =	sor.u32 $0x1C03, s0;
	[bflag:$0x0] =	sbarrier.arrive $0xFFFF;
	(pc) =	sbr.rel @p0 .LBB2_1-.Ltmp2, $4  }
0x84: {  	[hbm:s9], [sflag:s0] =	dma.local [spmem:s25], $0x2740  }
0x85: {  	_ =	swait.ge [sflag:s18], $0x2740  }
0x86: {  	[sflag:s18] =	ssyncset.done $0x0  }
0x87: {  	[sflag:s18] =	ssyncadd.s32 $0xFFFFD8C0  }
0x88: {  	_ =	sfence.sel $0x180000  }
0x89: {  	[bflag:$0x0] =	sbarrier.arrive $0xFFFF  }
0x8a: {  	_ =	strace $0x9000004D  }
0x8b: {  	s0 =	stileid.u32;
	[bflag:$0x2] =	sbarrier.arrive $0xFFFF  }
0x8c: {  	p0 =	sne.s32 s0, $0x0;
	s0 =	rddreg [dreg:$0x2]  }
0x8d: {  	s0 =	sadd.s32 @!p0 $0x100000, s0  }
0x8e: {  	[sflag:s0] =	ssyncadd.tile.s32 @!p0 $0x1;
	_ =	shalt  }
.Lfunc_end2:
_tile_overlayer_lowered:
.L_overlay_start_2:
0x8f: {  	(tag) =	ssettag $0x2  }
0x90: {  	s0 =	rddreg [dreg:$0x0];
	s2 =	stileid.u32  }
0x91: {  	s1 =	rddreg [dreg:$0x1];
	p0 =	sne.s32 s2, $0x0  }
0x92: {  	s3 =	rddreg [dreg:$0x2];
	[bflag:$0x3] =	sbarrier.arrive $0xFFFF;
	s2 =	simm.s32 @!p0 $0x1C03  }
0x93: {  	[timem:s3], [sflag:s2] =	dma.local @!p0 [hbm:s0], s1  }
0x94: {  	s0 =	simm.s32 @!p0 $0x3  }
0x95: {  	_ =	swait.ge @!p0 [sflag:s0], s1  }
0x96: {  	s1 =	ssub.s32 @!p0 $0x0, s1;
	[sflag:s0] =	ssyncset.done @!p0 $0x0  }
0x97: {  	[sflag:s0] =	ssyncadd.s32 @!p0 s1  }
0x98: {  	[bflag:$0x3] =	sbarrier.arrive $0xFFFF  }
0x99: {  	_ =	shalt  }

// kernel: kernel.8.cloned.1.call-start
scs
__scs_entry_jumppad:
0x0: {  	(pc) =	sbr.rel $0x88, $3  }
0x1: {  	(tag) =	ssettag $0x0;
	lr =	simm.s32 $0x1  }
0x2: {  	[smem:$0x3F9B] =	sst lr;
	_ =	strace $0xD0000000  }
0x3: {  	_ = 	snop  }
0x4: {  	_ = 	snop  }
0x5: {  	_ = 	snop  }
0x6: {  	_ = 	snop  }
0x7: {  	_ = 	snop  }
__scs_overlays_trampoline_lowered:
0x8: {  	[smem:$0x3FAA] =	sst s0  }
0x9: {  	[smem:$0x3FAB] =	sst s1  }
0xa: {  	[smem:$0x3FAC] =	sst s2  }
0xb: {  	[smem:$0x3FAD] =	sst s3  }
0xc: {  	[smem:$0x3FAE] =	sst s4  }
0xd: {  	[smem:$0x3FAF] =	sst s5  }
0xe: {  	[smem:$0x3FB0] =	sst s6  }
0xf: {  	[smem:$0x3FB1] =	sst s7  }
0x10: {  	[smem:$0x3FB2] =	sst s8  }
0x11: {  	[smem:$0x3FB3] =	sst s9;
	s0 =	simm.s32 @!p0 $0x0  }
0x12: {  	s1 =	sld [smem:$0x3F99];
	s0 =	simm.s32 @p0 $0x1  }
0x13: {  	[smem:$0x3FB4] =	sst s0;
	s0 =	simm.s32 @!p1 $0x0  }
0x14: {  	s2 =	sld [smem:$0x3F98];
	s0 =	simm.s32 @p1 $0x1  }
0x15: {  	[smem:$0x3FB5] =	sst s0;
	s0 =	simm.s32 @!p2 $0x0  }
0x16: {  	s3 =	sld [smem:$0x3FDB];
	s0 =	simm.s32 @p2 $0x1  }
0x17: {  	s4 =	simm.s32 $0x1BF5;
	[smem:$0x3FB7] =	sst s0  }
0x18: {  	s0 =	sld [smem:$0x3F9A];
	_ =	swait.ge [sflag:s4], $0x0  }
0x19: {  	s7 =	sld [smem:$0x3F9B]  }
0x1a: {  	s8 =	sadd.s32 $0xFFFFE003, lr  }
0x1b: {  	s9 =	sadd.s32 $0xFFFFFEF7, lr;
	s5 =	simm.s32 $0xFFFFFFFF;
	p2 =	slt.u32 s8, $0xFFFFF086  }
0x1c: {  	p1 =	slt.u32 s9, $0xF7A;
	s5 =	simm.s32 @!p2 $0x0  }
0x1d: {  	s5 =	simm.s32 @p1 $0x1;
	p0 =	seq.s32 s7, s2  }
0x1e: {  	s7 =	smul.u32 @!p0 $0xF7A, s2;
	p2 =	seq.s32 @!p0 s5, $0x0  }
0x1f: {  	s9 =	smul.u32 $0xF7A, s1;
	s8 =	simm.s32 @!p0 $0x1BF5;
	p2 =	por !p2, p0  }
0x20: {  	[sflag:s8] =	ssyncset.s32 @!p0 $0xFFFFF086;
	s6 =	sadd.s32 @!p0 s3, s7;
	s7 =	simm.s32 @!p0 $0x108  }
0x21: {  	s3 =	sadd.s32 s3, s9;
	s6 =	sadd.s32 @!p0 $0x88, s6;
	s7 =	simm.s32 @p2 $0x1082  }
0x22: {  	[simem:s7], [sflag:s8] =	dma.local @!p0 [hbm:s6], $0xF7A  }
0x23: {  	s9 =	sor.u32 $0xD0000000, s2;
	s6 =	simm.s32 $0x108;
	_ =	swait.ge @!p0 [sflag:s8], $0x0  }
0x24: {  	s3 =	sadd.s32 $0x88, s3;
	s6 =	simm.s32 @!p1 $0x1082;
	[sflag:s4] =	ssyncset.s32 $0xFFFFF086  }
0x25: {  	[simem:s6], [sflag:s4] =	dma.local [hbm:s3], $0xF7A  }
0x26: {  	[smem:$0x3F9B] =	sst s1;
	(tag) =	ssettag s2;
	_ =	strace s9  }
0x27: {  	s1 =	sld [smem:$0x3FAB]  }
0x28: {  	s2 =	sld [smem:$0x3FAC]  }
0x29: {  	s4 =	sld [smem:$0x3FAE]  }
0x2a: {  	p0 =	seq.s32 s5, $0x0;
	s5 =	sld [smem:$0x3FAF]  }
0x2b: {  	s6 =	sld [smem:$0x3FB0]  }
0x2c: {  	s7 =	sld [smem:$0x3FB1]  }
0x2d: {  	s3 =	simm.s32 $0x108;
	s8 =	sld [smem:$0x3FB2]  }
0x2e: {  	s3 =	simm.s32 @!p0 $0x1082;
	s9 =	sld [smem:$0x3FB3]  }
0x2f: {  	lr =	sadd.s32 s0, s3;
	s0 =	sld [smem:$0x3FAA]  }
0x30: {  	s3 =	sld [smem:$0x3FAD]  }
0x31: {  	[smem:$0x3FB6] =	sst s10  }
0x32: {  	s10 =	sld [smem:$0x3FB4];
	_ =	sdelay $0x3  }
0x33: {  	p0 =	seq.s32 s10, $0x1;
	s10 =	sld [smem:$0x3FB6];
	_ =	sdelay $0x3  }
0x34: {  	[smem:$0x3FB6] =	sst s10  }
0x35: {  	s10 =	sld [smem:$0x3FB5];
	_ =	sdelay $0x3  }
0x36: {  	p1 =	seq.s32 s10, $0x1;
	s10 =	sld [smem:$0x3FB6];
	_ =	sdelay $0x3  }
0x37: {  	[smem:$0x3FB6] =	sst s10  }
0x38: {  	s10 =	sld [smem:$0x3FB7]  }
0x39: {  	_ = 	snop;
	(pc) =	sbr.ind lr, $3  }
0x3a: {  	_ = 	snop  }
0x3b: {  	_ = 	snop  }
0x3c: {  	p2 =	seq.s32 s10, $0x1;
	s10 =	sld [smem:$0x3FB6]  }
0x3d: {  	_ =	shalt  }
0x3e: {  	_ =	shalt  }
0x3f: {  	_ =	shalt  }
0x40: {  	_ =	shalt  }
0x41: {  	_ =	shalt  }
0x42: {  	_ =	shalt  }
0x43: {  	_ =	shalt  }
0x44: {  	_ =	shalt  }
0x45: {  	_ =	shalt  }
0x46: {  	_ =	shalt  }
0x47: {  	_ =	shalt  }
0x48: {  	_ =	shalt  }
0x49: {  	_ =	shalt  }
0x4a: {  	_ =	shalt  }
0x4b: {  	_ =	shalt  }
0x4c: {  	_ =	shalt  }
0x4d: {  	_ =	shalt  }
0x4e: {  	_ =	shalt  }
0x4f: {  	_ =	shalt  }
0x50: {  	_ =	shalt  }
0x51: {  	_ =	shalt  }
0x52: {  	_ =	shalt  }
0x53: {  	_ =	shalt  }
0x54: {  	_ =	shalt  }
0x55: {  	_ =	shalt  }
0x56: {  	_ =	shalt  }
0x57: {  	_ =	shalt  }
0x58: {  	_ =	shalt  }
0x59: {  	_ =	shalt  }
0x5a: {  	_ =	shalt  }
0x5b: {  	_ =	shalt  }
0x5c: {  	_ =	shalt  }
0x5d: {  	_ =	shalt  }
0x5e: {  	_ =	shalt  }
0x5f: {  	_ =	shalt  }
0x60: {  	_ =	shalt  }
0x61: {  	_ =	shalt  }
0x62: {  	_ =	shalt  }
0x63: {  	_ =	shalt  }
0x64: {  	_ =	shalt  }
0x65: {  	_ =	shalt  }
0x66: {  	_ =	shalt  }
0x67: {  	_ =	shalt  }
0x68: {  	_ =	shalt  }
0x69: {  	_ =	shalt  }
0x6a: {  	_ =	shalt  }
0x6b: {  	_ =	shalt  }
0x6c: {  	_ =	shalt  }
0x6d: {  	_ =	shalt  }
0x6e: {  	_ =	shalt  }
0x6f: {  	_ =	shalt  }
0x70: {  	_ =	shalt  }
0x71: {  	_ =	shalt  }
0x72: {  	_ =	shalt  }
0x73: {  	_ =	shalt  }
0x74: {  	_ =	shalt  }
0x75: {  	_ =	shalt  }
0x76: {  	_ =	shalt  }
0x77: {  	_ =	shalt  }
0x78: {  	_ =	shalt  }
0x79: {  	_ =	shalt  }
0x7a: {  	_ =	shalt  }
0x7b: {  	_ =	shalt  }
0x7c: {  	_ =	shalt  }
0x7d: {  	_ =	shalt  }
0x7e: {  	_ =	shalt  }
0x7f: {  	_ =	shalt  }
0x80: {  	_ =	shalt  }
0x81: {  	_ =	shalt  }
0x82: {  	_ =	shalt  }
0x83: {  	_ =	shalt  }
0x84: {  	_ =	shalt  }
0x85: {  	_ =	shalt  }
0x86: {  	_ =	shalt  }
0x87: {  	_ =	shalt  }
.Lfunc_end0:
.L_simem_size_0:
called_computation_lowered:
.L_overlay_start_0:
0x88: {  	s2 =	sld [smem:$0x3FD9]  }
0x89: {  	s3 =	sld [smem:$0x3FFE];
	_ =	sdelay $0x1  }
0x8a: {  	s1 =	srdreg.scid  }
0x8b: {  	s0 =	sand.u32 $0x1, s1  }
0x8c: {  	s17 =	sshll.u32 s0, $0xA;
	s2 =	sadd.s32 s3, s2  }
0x8d: {  	s2 =	sadd.s32 s2, s17  }
0x8e: {  	[smem:$0x3FC2] =	sst s2  }
0x8f: {  	_ = 	snop  }
0x90: {  	s2 =	sld [smem:$0x3FD0];
	(tm) =	ssettm $0x1  }
0x91: {  	s18 =	sld [smem:$0x3FFB];
	_ =	sdelay $0x3  }
0x92: {  	_ =	strace s18  }
0x93: {  	s3 =	sld [smem:$0x3FFC];
	_ =	sdelay $0x3  }
0x94: {  	_ =	strace s3  }
0x95: {  	s3 =	sld [smem:$0x3FFD];
	_ =	sdelay $0x3  }
0x96: {  	_ =	strace s3  }
0x97: {  	_ =	strace $0x8FFFFFFF  }
0x98: {  	s19 =	sld [smem:$0x3FDB];
	_ =	sdelay $0x1  }
0x99: {  	s4 =	simm.s32 $_scs_section_size  }
0x9a: {  	s5 =	simm.s32 $_size__tile_overlayer_lowered;
	s6 =	simm.s32 $_tile_overlayer_lowered  }
0x9b: {  	s22 =	simm.s32 $0x1BFF;
	s21 =	sshll.u32 s6, $0x1;
	s3 =	sadd.s32 s4, s19  }
0x9c: {  	s7 =	simm.s32 $0x0;
	s20 =	sshll.u32 s5, $0x1;
	s5 =	sadd.s32 s21, s3  }
0x9d: {  	[timem:s7], [sflag:s22] =	dma.local [hbm:s5], s20  }
0x9e: {  	_ =	swait.ge [sflag:s22], s20  }
0x9f: {  	s4 =	ssub.s32 $0x0, s20;
	[sflag:s22] =	ssyncset.done $0x0  }
0xa0: {  	[sflag:s22] =	ssyncadd.s32 s4;
	_ =	sdelay $0x1  }
0xa1: {  	s23 =	simm.s32 $0x1B8B  }
0xa2: {  	_ =	swait.ge [sflag:s23], $0x1  }
0xa3: {  	[sflag:s23] =	ssyncset.done $0x0  }
0xa4: {  	s25 =	simm.s32 $0x1B8E;
	s24 =	sld [smem:$0x3FFE];
	[sflag:s23] =	ssyncadd.s32 $0xFFFFFFFF  }
0xa5: {  	s26 =	simm.s32 $execute0_lowered;
	[smem:$0x3FD2] =	sst s25  }
0xa6: {  	s5 =	sshll.u32 s26, $0x1;
	_ =	strace $0x80000046;
	[dreg:$0x1] =	wrdreg $0xFFFFFFFF  }
0xa7: {  	s28 =	simm.s32 $_size_execute0_lowered;
	s3 =	sadd.s32 s3, s5;
	[dreg:$0x0] =	wrdreg $0x0  }
0xa8: {  	s5 =	sshll.u32 s28, $0x1;
	[dreg:$0x2] =	wrdreg s3  }
0xa9: {  	[dreg:$0x3] =	wrdreg s5  }
0xaa: {  	[dreg:$0x4] =	wrdreg $0xC0  }
0xab: {  	_ =	task [dreg:s7], $0x5FFFF  }
0xac: {  	[dreg:$0x1] =	wrdreg $0xFFFFFFFF  }
0xad: {  	[dreg:$0x0] =	wrdreg $0x60  }
0xae: {  	[dreg:$0x2] =	wrdreg s2  }
0xaf: {  	[dreg:$0x3] =	wrdreg s24  }
0xb0: {  	[dreg:$0x4] =	wrdreg $0x9  }
0xb1: {  	_ =	task.clear_ibuf [dreg:s7], $0x5FFFF;
	_ =	strace $0x90000046  }
0xb2: {  	s29 =	simm.s32 $0x9;
	_ =	strace $0x80000048  }
0xb3: {  	_ =	swait.ge [sflag:s29], $0x1  }
0xb4: {  	[sflag:s29] =	ssyncadd.s32 $0xFFFFFFFF  }
0xb5: {  	_ =	strace $0x90000048  }
0xb6: {  	_ =	sfence  }
0xb7: {  	s30 =	sld [smem:$0x0];
	_ =	sdelay $0x2  }
0xb8: {  	s31 =	sshll.u32 s1, $0xD;
	s1 =	sshrl.u32 s1, $0x2  }
0xb9: {  	s3 =	sand.u32 $0x4000, s31;
	s1 =	sadd.s32 s1, s30  }
0xba: {  	s0 =	sor.u32 s3, s0;
	s1 =	sshll.u32 s1, $0x11  }
0xbb: {  	s0 =	sor.u32 s1, s0  }
0xbc: {  	s0 =	sadd.s32 $0x8F2B, s0  }
0xbd: {  	[sflag:s0] =	ssyncadd.remote.s32 $0x1  }
0xbe: {  	_ =	sfence.sel $0xFFFF  }
0xbf: {  	[dreg:$0x0] =	wrdreg $0xFFFFFFFF;
	(pc) =	sbr.abs _section_cstart, $3  }
0xc0: {  	[dreg:$0x1] =	wrdreg $0xFFFFFFFF  }
0xc1: {  	_ =	task.clear_ibuf [dreg:s7], $0x2FFFF;
	_ =	strace $0x9FFFFFFF  }
0xc2: {  	(tm) =	ssettm $0x7FFFFFFF  }
0xc3: {  	_ =	shalt  }
tec
execute0_lowered:
.L_overlay_start_1:
0x0: {  	(tag) =	ssettag $0x1  }
0x1: {  	s0 =	srdreg.scid  }
0x2: {  	s3 =	sand.u32 $0x1, s0  }
0x3: {  	s4 =	rddreg [dreg:$0x0];
	s0 =	stileid.u32;
	s1 =	sshll.u32 s3, $0x4  }
0x4: {  	s5 =	rddreg [dreg:$0x1];
	s1 =	sor.u32 s0, s1  }
0x5: {  	s2 =	simm.s32 $0x0;
	s8 =	simm.s32 $0x1;
	s1 =	sshrl.u32 s1, $0x3  }
0x6: {  	s9 =	simm.s32 $0x2780;
	s7 =	sshll.u32 s0, $0x7;
	s6 =	smul.u32 $0x13C00, s1  }
0x7: {  	[smem:$0x7FF] =	sst s2;
	s3 =	ssub.s32 $0x2, s3;
	s7 =	sand.u32 $0x380, s7  }
0x8: {  	s31 =	sshrl.u32 s3, $0x1;
	s1 =	rddreg [dreg:$0x2];
	s6 =	sor.u32 s7, s6  }
0x9: {  	_ =	strace $0x80000047;
	s7 =	ssub.s32 s3, s31;
	s6 =	sshrl.u32 s6, $0x3  }
0xa: {  	s5 =	sadd.s32 s6, s5;
	s3 =	sadd.s32 s4, s6;
	s6 =	simm.s32 $0x80  }
0xb: {  	v0 =	vimm.f32 $0.0e+00;
	v1 =	vimm.f32 $1.000000000e+00;
	s4 =	sadd.s32 $0xCE00, s5;
	s5 =	smax.u32 s7, $0x1;
	s7 =	simm.s32 $0x400  }
.LBB2_1:
0xc: {  	s10 =	simm.s32 $0x40;
	s11 =	simm.s32 $0x0  }
.LBB2_2:
0xd: {  	p0 =	sne.s32 s10, $0x9CC0;
	[tilespmem:s11+$0x2780] =	vst v0;
	s11 =	smov.u32 s10;
	s10 =	sadd.s32 $0x40, s10  }
.Ltmp0:
0xe: {  	(pc) =	sbr.rel @p0 .LBB2_2-.Ltmp0, $2  }
0xf: {  	_ =	sdelay $0x2  }
0x10: {  	s11 =	sshra.s32 s11, $0x2  }
0x11: {  	[tilespmem:s11+$0x2780] =	vst v0;
	s10 =	simm.s32 $0x0  }
0x12: {  	[tilespmem:s10], [sflag:$0x1] =	stream.strided.gather [hbm4b:s3+s6], $0x2780, s7, s6, $0x38;
	[tilespmem:$0x4F00] =	vst v63  }
0x13: {  	_ =	swait.ge [sflag:s8], $0x2780  }
0x14: {  	[sflag:s8] =	ssyncset.done $0x0  }
0x15: {  	s11 =	simm.s32 $0x0;
	s10 =	simm.s32 $0x40;
	[sflag:s8] =	ssyncadd.s32 $0xFFFFD880  }
.LBB2_4:
0x16: {  	p0 =	sne.s32 s10, $0x9C80;
	v2 =	vld [tilespmem:s11+$0x0];
	_ =	sdelay $0x3  }
.Ltmp1:
0x17: {  	(pc) =	sbr.rel @p0 .LBB2_4-.Ltmp1, $2  }
0x18: {  	_ =	sdelay $0x2  }
0x19: {  	s11 =	sshra.s32 s10, $0x2;
	s10 =	sadd.s32 $0x40, s10;
	[tilespmem:v2+s9+$0x0] =	vst.idx.add.f32.msk $0xffff, v1  }
0x1a: {  	v2 =	vld [tilespmem:s11+$0x0];
	_ =	sdelay $0x5  }
0x1b: {  	s2 =	sadd.s32 $0x1, s2  }
0x1c: {  	p0 =	sne.s32 s2, s5  }
.Ltmp2:
0x1d: {  	[tilespmem:v2+s9+$0x0] =	vst.idx.add.f32.msk $0xffff, v1;
	(pc) =	sbr.rel @p0 .LBB2_1-.Ltmp2, $4  }
0x1e: {  	[hbm4b:s4+s6] =	stream.strided.scatter [tilespmem:s9], [sflag:$0x1], $0x2780, s7, s6, $0x38;
	[tilespmem:$0x4F00] =	vst v63  }
0x1f: {  	_ =	swait.ge [sflag:s8], $0x2780  }
0x20: {  	[sflag:s8] =	ssyncset.done $0x0  }
0x21: {  	[sflag:s8] =	ssyncadd.s32 $0xFFFFD880  }
0x22: {  	_ =	sfence.sel $0x180000  }
0x23: {  	[bflag:$0x0] =	sbarrier.arrive $0xFFFF  }
0x24: {  	p0 =	sne.s32 s0, $0x0;
	_ =	strace $0x90000047  }
0x25: {  	s0 =	sadd.s32 @!p0 $0x100000, s1;
	[bflag:$0x2] =	sbarrier.arrive $0xFFFF  }
0x26: {  	[sflag:s0] =	ssyncadd.tile.s32 @!p0 $0x1;
	_ =	shalt  }
.Lfunc_end2:
_tile_overlayer_lowered:
.L_overlay_start_2:
0x27: {  	(tag) =	ssettag $0x2  }
0x28: {  	s0 =	rddreg [dreg:$0x0];
	s2 =	stileid.u32  }
0x29: {  	s1 =	rddreg [dreg:$0x1];
	p0 =	sne.s32 s2, $0x0  }
0x2a: {  	s3 =	rddreg [dreg:$0x2];
	[bflag:$0x3] =	sbarrier.arrive $0xFFFF;
	s2 =	simm.s32 @!p0 $0x1C01  }
0x2b: {  	[timem:s3], [sflag:s2] =	dma.local @!p0 [hbm:s0], s1  }
0x2c: {  	s0 =	simm.s32 @!p0 $0x1  }
0x2d: {  	_ =	swait.ge @!p0 [sflag:s0], s1  }
0x2e: {  	s1 =	ssub.s32 @!p0 $0x0, s1;
	[sflag:s0] =	ssyncset.done @!p0 $0x0  }
0x2f: {  	[sflag:s0] =	ssyncadd.s32 @!p0 s1  }
0x30: {  	[bflag:$0x3] =	sbarrier.arrive $0xFFFF  }
0x31: {  	_ =	shalt  }

</sc_bundles>
